<compile_context>
chip_gen: v7x
topology: tpu7x:2x2x1
jax: 0.10.2.dev20260603
libtpu: 0.0.44.dev20260713+nightly
codegen_flags: <defaults>
</compile_context>

<pallas_src>
import functools

import jax
import jax.numpy as jnp
from jax import lax
from jax.experimental import pallas as pl
from jax.experimental.pallas import tpu as pltpu
from jax.experimental.pallas import tpu_sc as plsc

N = 10000
E = 160000
D = 256
HD = 128

NC = 2
NS = 16
CHUNK = 128

EPAD = 163840
PAD_DST = 10008

ROWS = 10240

TCH = EPAD // NS
NCH = TCH // CHUNK

_mesh = plsc.VectorSubcoreMesh(core_axis_name="c", subcore_axis_name="s")


@functools.partial(
    pl.kernel,
    mesh=_mesh,
    out_type=jax.ShapeDtypeStruct((NC, ROWS), jnp.float32),
    scratch_types=[
        pltpu.VMEM((CHUNK,), jnp.int32),
        pltpu.VMEM((CHUNK,), jnp.int32),
        pltpu.VMEM((CHUNK,), jnp.float32),
        pltpu.VMEM((640,), jnp.float32),
        pltpu.VMEM_SHARED((ROWS,), jnp.float32),
        pltpu.SemaphoreType.DMA,
        pltpu.SemaphoreType.DMA,
    ],
)
def _sc_degree(dst_hbm, ones_hbm, zeros_hbm, out_hbm, i0, i1, ones_v, z_v,
               acc_sh, dsem0, dsem1):
    c = lax.axis_index("c")
    s = lax.axis_index("s")
    WCH = EPAD // (NC * NS)
    base = (c * NS + s) * WCH
    islots = ((i0, dsem0), (i1, dsem1))

    def ifire(k, slot):
        iv, sem = islots[slot]
        pltpu.async_copy(dst_hbm.at[pl.ds(base + k, CHUNK)], iv, sem)

    def idrain(k, slot):
        iv, sem = islots[slot]
        pltpu.make_async_copy(
            dst_hbm.at[pl.ds(base + k, CHUNK)], iv, sem).wait()
        pltpu.sync_copy(ones_v, acc_sh.at[iv], add=True)

    pltpu.sync_copy(zeros_hbm, z_v)
    pltpu.sync_copy(z_v, acc_sh.at[pl.ds(s * 640, 640)])
    pltpu.sync_copy(ones_hbm, ones_v)
    ifire(0, 0)
    ifire(CHUNK, 1)
    plsc.subcore_barrier()

    @pl.loop(0, WCH, step=2 * CHUNK)
    def _(k):
        idrain(k, 0)

        @pl.when(k + 2 * CHUNK < WCH)
        def _():
            ifire(k + 2 * CHUNK, 0)

        idrain(k + CHUNK, 1)

        @pl.when(k + 3 * CHUNK < WCH)
        def _():
            ifire(k + 3 * CHUNK, 1)

    plsc.subcore_barrier()
    pltpu.sync_copy(acc_sh.at[pl.ds(s * 640, 640)], z_v)
    pltpu.sync_copy(z_v, out_hbm.at[c, pl.ds(s * 640, 640)])


@functools.partial(
    pl.kernel,
    mesh=_mesh,
    out_type=jax.ShapeDtypeStruct((NC, ROWS, HD), jnp.float32),
    scratch_types=[
        pltpu.VMEM((TCH,), jnp.int32),
        pltpu.VMEM((CHUNK,), jnp.int32),
        pltpu.VMEM((CHUNK,), jnp.int32),
        pltpu.VMEM((CHUNK, HD), jnp.float32),
        pltpu.VMEM((CHUNK, HD), jnp.float32),
        pltpu.VMEM_SHARED((ROWS, HD), jnp.float32),
        pltpu.SemaphoreType.DMA,
        pltpu.SemaphoreType.DMA,
        pltpu.SemaphoreType.DMA,
        pltpu.SemaphoreType.DMA,
    ],
)
def _sc_segsum(src_hbm, dst_hbm, h3_hbm, zeros_hbm, out_hbm,
               src_all, d0, d1, r0, r1, acc_sh, sem0, sem1, ssem0, ssem1):
    c = lax.axis_index("c")
    s = lax.axis_index("s")
    slots = ((d0, r0, sem0, ssem0), (d1, r1, sem1, ssem1))
    ebase = s * TCH
    h2c = h3_hbm.at[c]

    def fire(k, slot, first=False):
        dv, rv, sem, ssem = slots[slot]
        if not first:
            pltpu.make_async_copy(rv, acc_sh.at[dv], ssem).wait()
        pltpu.async_copy(h2c.at[src_all.at[pl.ds(k * CHUNK, CHUNK)]], rv, sem)
        pltpu.async_copy(dst_hbm.at[pl.ds(ebase + k * CHUNK, CHUNK)], dv, sem)

    def drain(k, slot):
        dv, rv, sem, ssem = slots[slot]
        pltpu.make_async_copy(
            h2c.at[src_all.at[pl.ds(k * CHUNK, CHUNK)]], rv, sem).wait()
        pltpu.make_async_copy(
            dst_hbm.at[pl.ds(ebase + k * CHUNK, CHUNK)], dv, sem).wait()
        pltpu.async_copy(rv, acc_sh.at[dv], ssem, add=True)

    pltpu.sync_copy(src_hbm.at[pl.ds(ebase, TCH)], src_all)

    pltpu.sync_copy(zeros_hbm, r0)
    zbase = s * 640
    for t in range(5):
        pltpu.sync_copy(r0, acc_sh.at[pl.ds(zbase + t * CHUNK, CHUNK)])

    fire(0, 0, first=True)
    fire(1, 1, first=True)
    plsc.subcore_barrier()

    @pl.loop(0, NCH, step=2)
    def _(k):
        drain(k, 0)

        @pl.when(k + 2 < NCH)
        def _():
            fire(k + 2, 0)

        drain(k + 1, 1)

        @pl.when(k + 3 < NCH)
        def _():
            fire(k + 3, 1)

    pltpu.make_async_copy(r0, acc_sh.at[d0], ssem0).wait()
    pltpu.make_async_copy(r1, acc_sh.at[d1], ssem1).wait()
    plsc.subcore_barrier()
    pltpu.sync_copy(acc_sh.at[pl.ds(zbase, 640)],
                    out_hbm.at[c, pl.ds(zbase, 640)])


def _tc_matmul(x, W):
    B = 1000

    def body(x_ref, w_ref, o_ref):
        h = jnp.dot(x_ref[...], w_ref[...],
                    preferred_element_type=jnp.float32,
                    precision=lax.Precision.HIGHEST)
        o_ref[0] = h[:, :HD]
        o_ref[1] = h[:, HD:]

    return pl.pallas_call(
        body,
        grid=(N // B,),
        in_specs=[
            pl.BlockSpec((B, D), lambda i: (i, 0)),
            pl.BlockSpec((D, D), lambda i: (0, 0)),
        ],
        out_specs=pl.BlockSpec((NC, B, HD), lambda i: (0, i, 0)),
        out_shape=jax.ShapeDtypeStruct((NC, N, HD), jnp.float32),
    )(x, W)


def _tc_scale(h3raw, deg_parts):
    B = 1000

    def body(h_ref, dp_ref, o_ref):
        d = dp_ref[0] + dp_ref[1] + 1.0
        dinv = lax.rsqrt(d)
        o_ref[...] = h_ref[...] * dinv

    return pl.pallas_call(
        body,
        grid=(N // B,),
        in_specs=[
            pl.BlockSpec((NC, B, HD), lambda i: (0, i, 0)),
            pl.BlockSpec((NC, B, 1), lambda i: (0, i, 0)),
        ],
        out_specs=pl.BlockSpec((NC, B, HD), lambda i: (0, i, 0)),
        out_shape=jax.ShapeDtypeStruct((NC, N, HD), jnp.float32),
    )(h3raw, deg_parts)


def _tc_epilogue(acc, h3, deg_parts, b2):
    B = 1000

    def body(acc_ref, h3_ref, dp_ref, b_ref, o_ref):
        d = dp_ref[0] + dp_ref[1] + 1.0
        dinv = lax.rsqrt(d)
        h2cat = jnp.concatenate([h3_ref[0], h3_ref[1]], axis=1)
        acccat = jnp.concatenate([acc_ref[0], acc_ref[1]], axis=1)
        o_ref[...] = jnp.maximum(dinv * (acccat + h2cat) + b_ref[...], 0.0)

    return pl.pallas_call(
        body,
        grid=(N // B,),
        in_specs=[
            pl.BlockSpec((NC, B, HD), lambda i: (0, i, 0)),
            pl.BlockSpec((NC, B, HD), lambda i: (0, i, 0)),
            pl.BlockSpec((NC, B, 1), lambda i: (0, i, 0)),
            pl.BlockSpec((1, D), lambda i: (0, 0)),
        ],
        out_specs=pl.BlockSpec((B, D), lambda i: (i, 0)),
        out_shape=jax.ShapeDtypeStruct((N, D), jnp.float32),
    )(acc, h3, deg_parts, b2)


def kernel(x, edge_index, W, b):
    src = edge_index[0].astype(jnp.int32)
    dst = edge_index[1].astype(jnp.int32)
    pad = EPAD - E
    src_p = jnp.concatenate([src, jnp.zeros((pad,), jnp.int32)])
    dst_p = jnp.concatenate([dst, jnp.full((pad,), PAD_DST, jnp.int32)])

    ones_vec = jnp.ones((CHUNK,), jnp.float32)
    zeros640 = jnp.zeros((640,), jnp.float32)
    zeros_rows = jnp.zeros((CHUNK, HD), jnp.float32)

    deg_parts = _sc_degree(dst_p, ones_vec, zeros640)
    deg_col = deg_parts[:, :, None]
    h3raw = _tc_matmul(x, W)
    h3 = _tc_scale(h3raw, deg_col)
    acc = _sc_segsum(src_p, dst_p, h3, zeros_rows)
    return _tc_epilogue(acc, h3, deg_col, b.reshape(1, D))

# --- scband reference (transcript-rebuilt; emitter-appended) ---
"""Pipeline reference for scband-dgi-57363583205487 (READ-ONLY COPY).

The authoritative reference and input builder live on the scoring server;
editing this copy changes nothing except your own understanding.
"""

import jax, jax.numpy as jnp
import numpy as np

N_NODES = 10000
N_EDGES = 160000
F_DIM = 256
E_DIM = 256


def setup_inputs(seed: int = 0) -> dict:
    key = jax.random.key(seed)
    k1, k2, k3 = jax.random.split(key, 3)
    x = jax.random.normal(k1, (N_NODES, F_DIM), dtype=jnp.float32)
    edge_index = jax.random.randint(k2, (2, N_EDGES), 0, N_NODES, dtype=jnp.int64)
    # GCNConv linear weight (glorot-like) and bias
    W = jax.random.normal(k3, (F_DIM, E_DIM), dtype=jnp.float32) * (1.0 / np.sqrt(F_DIM))
    b = jnp.zeros((E_DIM,), dtype=jnp.float32)
    return {"x": x, "edge_index": edge_index, "W": W, "b": b}


def reference(x, edge_index, W, b):
    # DGI.encode with type='transductive': GCNConv(F_dim, E_dim) -> ReLU
    # GCNConv (PyG defaults): add self-loops, symmetric normalization
    n = x.shape[0]
    src = edge_index[0]
    dst = edge_index[1]
    loop = jnp.arange(n, dtype=src.dtype)
    src = jnp.concatenate([src, loop])
    dst = jnp.concatenate([dst, loop])
    ew = jnp.ones((src.shape[0],), dtype=x.dtype)
    deg = jax.ops.segment_sum(ew, dst, num_segments=n)
    dinv = jnp.where(deg > 0, 1.0 / jnp.sqrt(deg), 0.0)
    norm = dinv[src] * dinv[dst]
    h = x @ W
    msg = h[src] * norm[:, None]
    out = jax.ops.segment_sum(msg, dst, num_segments=n) + b
    return jax.nn.relu(out)

if __name__ == "__main__":
    import jax
    _d = setup_inputs()
    print(jax.jit(kernel)(*tuple(_d.values())))

</pallas_src>

<mosaic_0001>
#map = affine_map<(d0, d1) -> (0)>
#map1 = affine_map<(d0, d1) -> (0, 0)>
module attributes {stable_mosaic.version = 14 : i64} {
  func.func @_sc_degree(%arg0: i32, %arg1: i32, %arg2: memref<163840xi32, #tpu.memory_space<hbm>>, %arg3: memref<128xf32, #tpu.memory_space<hbm>>, %arg4: memref<640xf32, #tpu.memory_space<hbm>>, %arg5: memref<2x10240xf32, #tpu.memory_space<hbm>>, %arg6: memref<128xi32, #tpu.memory_space<vmem>>, %arg7: memref<128xi32, #tpu.memory_space<vmem>>, %arg8: memref<128xf32, #tpu.memory_space<vmem>>, %arg9: memref<640xf32, #tpu.memory_space<vmem>>, %arg10: memref<10240xf32, #tpu.memory_space<vmem_shared>>, %arg11: memref<!tpu.dma_semaphore, #tpu.memory_space<semaphore_mem>>, %arg12: memref<!tpu.dma_semaphore, #tpu.memory_space<semaphore_mem>>) attributes {dimension_semantics = [#tpu.dimension_semantics<core_parallel>, #tpu.dimension_semantics<subcore_parallel>], iteration_bounds = array<i64: 2, 16>, scalar_prefetch = 0 : i64, scratch_operands = 7 : i64, tpu.core_type = #tpu.core_type<sc_vector_subcore>, window_params = [{transform_indices = #map}, {transform_indices = #map}, {transform_indices = #map}, {transform_indices = #map1}]} {
    %mul3A = arith.constant 16 : i32
    %mul3A_0 = arith.muli %arg0, %mul3A : i32
    %add3A = arith.addi %mul3A_0, %arg1 : i32
    %mul3A_1 = arith.constant 5120 : i32
    %mul3A_2 = arith.muli %add3A, %mul3A_1 : i32
    "tpu.region"() ({
      %run_scoped3A = tpu.sem_alloc : memref<!tpu.dma_semaphore, #tpu.memory_space<semaphore_mem>>
      tpu.enqueue_dma source(%arg4 : memref<640xf32, #tpu.memory_space<hbm>>) target(%arg9 : memref<640xf32, #tpu.memory_space<vmem>>) target_semaphore(%run_scoped3A : memref<!tpu.dma_semaphore, #tpu.memory_space<semaphore_mem>>)
      tpu.wait_dma2 semaphore(%run_scoped3A : memref<!tpu.dma_semaphore, #tpu.memory_space<semaphore_mem>>) src(%arg4 : memref<640xf32, #tpu.memory_space<hbm>>) dst(%arg9 : memref<640xf32, #tpu.memory_space<vmem>>)
      tpu.yield
    }) : () -> ()
    %mul3A_3 = arith.constant 640 : i32
    %mul3A_4 = arith.muli %arg1, %mul3A_3 : i32
    "tpu.region"() ({
      %run_scoped3A = tpu.sem_alloc : memref<!tpu.dma_semaphore, #tpu.memory_space<semaphore_mem>>
      %dma_start3A_21 = tpu.memref_slice %arg10[%mul3A_4] : memref<10240xf32, #tpu.memory_space<vmem_shared>> -> memref<640xf32, #tpu.memory_space<vmem_shared>>
      %dma_start3A_22 = tpu.memref_slice %arg10[%mul3A_4] : memref<10240xf32, #tpu.memory_space<vmem_shared>> -> memref<640xf32, #tpu.memory_space<vmem_shared>>
      tpu.enqueue_dma source(%arg9 : memref<640xf32, #tpu.memory_space<vmem>>) target(%dma_start3A_22 : memref<640xf32, #tpu.memory_space<vmem_shared>>) target_semaphore(%run_scoped3A : memref<!tpu.dma_semaphore, #tpu.memory_space<semaphore_mem>>)
      %dma_wait3A = tpu.memref_slice %arg10[%mul3A_4] : memref<10240xf32, #tpu.memory_space<vmem_shared>> -> memref<640xf32, #tpu.memory_space<vmem_shared>>
      %dma_wait3A_23 = tpu.memref_slice %arg10[%mul3A_4] : memref<10240xf32, #tpu.memory_space<vmem_shared>> -> memref<640xf32, #tpu.memory_space<vmem_shared>>
      tpu.wait_dma2 semaphore(%run_scoped3A : memref<!tpu.dma_semaphore, #tpu.memory_space<semaphore_mem>>) src(%arg9 : memref<640xf32, #tpu.memory_space<vmem>>) dst(%dma_wait3A_23 : memref<640xf32, #tpu.memory_space<vmem_shared>>)
      tpu.yield
    }) : () -> ()
    "tpu.region"() ({
      %run_scoped3A = tpu.sem_alloc : memref<!tpu.dma_semaphore, #tpu.memory_space<semaphore_mem>>
      tpu.enqueue_dma source(%arg3 : memref<128xf32, #tpu.memory_space<hbm>>) target(%arg8 : memref<128xf32, #tpu.memory_space<vmem>>) target_semaphore(%run_scoped3A : memref<!tpu.dma_semaphore, #tpu.memory_space<semaphore_mem>>)
      tpu.wait_dma2 semaphore(%run_scoped3A : memref<!tpu.dma_semaphore, #tpu.memory_space<semaphore_mem>>) src(%arg3 : memref<128xf32, #tpu.memory_space<hbm>>) dst(%arg8 : memref<128xf32, #tpu.memory_space<vmem>>)
      tpu.yield
    }) : () -> ()
    %add3A_5 = arith.constant 0 : i32
    %add3A_6 = arith.addi %mul3A_2, %add3A_5 : i32
    %dma_start3A = tpu.memref_slice %arg2[%add3A_6] : memref<163840xi32, #tpu.memory_space<hbm>> -> memref<128xi32, #tpu.memory_space<hbm>>
    %dma_start3A_7 = tpu.memref_slice %arg2[%add3A_6] : memref<163840xi32, #tpu.memory_space<hbm>> -> memref<128xi32, #tpu.memory_space<hbm>>
    tpu.enqueue_dma source(%dma_start3A_7 : memref<128xi32, #tpu.memory_space<hbm>>) target(%arg6 : memref<128xi32, #tpu.memory_space<vmem>>) target_semaphore(%arg11 : memref<!tpu.dma_semaphore, #tpu.memory_space<semaphore_mem>>)
    %add3A_8 = arith.constant 128 : i32
    %add3A_9 = arith.addi %mul3A_2, %add3A_8 : i32
    %dma_start3A_10 = tpu.memref_slice %arg2[%add3A_9] : memref<163840xi32, #tpu.memory_space<hbm>> -> memref<128xi32, #tpu.memory_space<hbm>>
    %dma_start3A_11 = tpu.memref_slice %arg2[%add3A_9] : memref<163840xi32, #tpu.memory_space<hbm>> -> memref<128xi32, #tpu.memory_space<hbm>>
    tpu.enqueue_dma source(%dma_start3A_11 : memref<128xi32, #tpu.memory_space<hbm>>) target(%arg7 : memref<128xi32, #tpu.memory_space<vmem>>) target_semaphore(%arg12 : memref<!tpu.dma_semaphore, #tpu.memory_space<semaphore_mem>>)
    %barrier3A = arith.constant 0 : index
    tpu.barrier barrier_id(%barrier3A)
    %scan3A = arith.constant 0 : i32
    %scan3A_12 = arith.constant 20 : i32
    %scan3A_13 = arith.addi %scan3A, %scan3A_12 : i32
    %scan3A_14 = arith.constant 1 : i32
    scf.for %scan3A_21 = %scan3A to %scan3A_13 step %scan3A_14  : i32 {
      %mul3A_22 = arith.constant 256 : i32
      %mul3A_23 = arith.muli %scan3A_21, %mul3A_22 : i32
      %add3A_24 = arith.constant 0 : i32
      %add3A_25 = arith.addi %add3A_24, %mul3A_23 : i32
      %add3A_26 = arith.addi %mul3A_2, %add3A_25 : i32
      %dma_wait3A = tpu.memref_slice %arg2[%add3A_26] : memref<163840xi32, #tpu.memory_space<hbm>> -> memref<128xi32, #tpu.memory_space<hbm>>
      %dma_wait3A_27 = tpu.memref_slice %arg2[%add3A_26] : memref<163840xi32, #tpu.memory_space<hbm>> -> memref<128xi32, #tpu.memory_space<hbm>>
      tpu.wait_dma2 semaphore(%arg11 : memref<!tpu.dma_semaphore, #tpu.memory_space<semaphore_mem>>) src(%dma_wait3A_27 : memref<128xi32, #tpu.memory_space<hbm>>) dst(%arg6 : memref<128xi32, #tpu.memory_space<vmem>>)
      "tpu.region"() ({
        %run_scoped3A = tpu.sem_alloc : memref<!tpu.dma_semaphore, #tpu.memory_space<semaphore_mem>>
        %dma_start3A_44 = arith.constant 0 : i32
        %dma_start3A_45 = tpu.memref_slice %arg10[%dma_start3A_44] : memref<10240xf32, #tpu.memory_space<vmem_shared>> -> memref<10240xf32, #tpu.memory_space<vmem_shared>>
        tpu.enqueue_indirect_dma source(%arg8 : memref<128xf32, #tpu.memory_space<vmem>>) target(%dma_start3A_45 : memref<10240xf32, #tpu.memory_space<vmem_shared>>) offsets(%arg6 : memref<128xi32, #tpu.memory_space<vmem>>) semaphore(%run_scoped3A : memref<!tpu.dma_semaphore, #tpu.memory_space<semaphore_mem>>) {add = true}
        %dma_wait3A_46 = arith.constant 0 : i32
        %dma_wait3A_47 = tpu.memref_slice %arg10[%dma_wait3A_46] : memref<10240xf32, #tpu.memory_space<vmem_shared>> -> memref<10240xf32, #tpu.memory_space<vmem_shared>>
        tpu.wait_indirect_dma semaphore(%run_scoped3A : memref<!tpu.dma_semaphore, #tpu.memory_space<semaphore_mem>>) src(%arg8 : memref<128xf32, #tpu.memory_space<vmem>>) dst(%dma_wait3A_47 : memref<10240xf32, #tpu.memory_space<vmem_shared>>)
        tpu.yield
      }) : () -> ()
      %add3A_28 = arith.constant 256 : i32
      %add3A_29 = arith.addi %add3A_25, %add3A_28 : i32
      %lt3A = arith.constant 5120 : i32
      %lt3A_30 = arith.cmpi slt, %add3A_29, %lt3A : i32
      %convert_element_type3A = arith.extui %lt3A_30 : i1 to i32
      %cond3A = arith.constant 0 : i32
      %cond3A_31 = arith.cmpi ne, %convert_element_type3A, %cond3A : i32
      scf.if %cond3A_31 {
        %add3A_44 = arith.constant 256 : i32
        %add3A_45 = arith.addi %add3A_25, %add3A_44 : i32
        %add3A_46 = arith.addi %mul3A_2, %add3A_45 : i32
        %dma_start3A_47 = tpu.memref_slice %arg2[%add3A_46] : memref<163840xi32, #tpu.memory_space<hbm>> -> memref<128xi32, #tpu.memory_space<hbm>>
        %dma_start3A_48 = tpu.memref_slice %arg2[%add3A_46] : memref<163840xi32, #tpu.memory_space<hbm>> -> memref<128xi32, #tpu.memory_space<hbm>>
        tpu.enqueue_dma source(%dma_start3A_48 : memref<128xi32, #tpu.memory_space<hbm>>) target(%arg6 : memref<128xi32, #tpu.memory_space<vmem>>) target_semaphore(%arg11 : memref<!tpu.dma_semaphore, #tpu.memory_space<semaphore_mem>>)
      } else {
      }
      %add3A_32 = arith.constant 128 : i32
      %add3A_33 = arith.addi %add3A_25, %add3A_32 : i32
      %add3A_34 = arith.addi %mul3A_2, %add3A_33 : i32
      %dma_wait3A_35 = tpu.memref_slice %arg2[%add3A_34] : memref<163840xi32, #tpu.memory_space<hbm>> -> memref<128xi32, #tpu.memory_space<hbm>>
      %dma_wait3A_36 = tpu.memref_slice %arg2[%add3A_34] : memref<163840xi32, #tpu.memory_space<hbm>> -> memref<128xi32, #tpu.memory_space<hbm>>
      tpu.wait_dma2 semaphore(%arg12 : memref<!tpu.dma_semaphore, #tpu.memory_space<semaphore_mem>>) src(%dma_wait3A_36 : memref<128xi32, #tpu.memory_space<hbm>>) dst(%arg7 : memref<128xi32, #tpu.memory_space<vmem>>)
      "tpu.region"() ({
        %run_scoped3A = tpu.sem_alloc : memref<!tpu.dma_semaphore, #tpu.memory_space<semaphore_mem>>
        %dma_start3A_44 = arith.constant 0 : i32
        %dma_start3A_45 = tpu.memref_slice %arg10[%dma_start3A_44] : memref<10240xf32, #tpu.memory_space<vmem_shared>> -> memref<10240xf32, #tpu.memory_space<vmem_shared>>
        tpu.enqueue_indirect_dma source(%arg8 : memref<128xf32, #tpu.memory_space<vmem>>) target(%dma_start3A_45 : memref<10240xf32, #tpu.memory_space<vmem_shared>>) offsets(%arg7 : memref<128xi32, #tpu.memory_space<vmem>>) semaphore(%run_scoped3A : memref<!tpu.dma_semaphore, #tpu.memory_space<semaphore_mem>>) {add = true}
        %dma_wait3A_46 = arith.constant 0 : i32
        %dma_wait3A_47 = tpu.memref_slice %arg10[%dma_wait3A_46] : memref<10240xf32, #tpu.memory_space<vmem_shared>> -> memref<10240xf32, #tpu.memory_space<vmem_shared>>
        tpu.wait_indirect_dma semaphore(%run_scoped3A : memref<!tpu.dma_semaphore, #tpu.memory_space<semaphore_mem>>) src(%arg8 : memref<128xf32, #tpu.memory_space<vmem>>) dst(%dma_wait3A_47 : memref<10240xf32, #tpu.memory_space<vmem_shared>>)
        tpu.yield
      }) : () -> ()
      %add3A_37 = arith.constant 384 : i32
      %add3A_38 = arith.addi %add3A_25, %add3A_37 : i32
      %lt3A_39 = arith.constant 5120 : i32
      %lt3A_40 = arith.cmpi slt, %add3A_38, %lt3A_39 : i32
      %convert_element_type3A_41 = arith.extui %lt3A_40 : i1 to i32
      %cond3A_42 = arith.constant 0 : i32
      %cond3A_43 = arith.cmpi ne, %convert_element_type3A_41, %cond3A_42 : i32
      scf.if %cond3A_43 {
        %add3A_44 = arith.constant 384 : i32
        %add3A_45 = arith.addi %add3A_25, %add3A_44 : i32
        %add3A_46 = arith.addi %mul3A_2, %add3A_45 : i32
        %dma_start3A_47 = tpu.memref_slice %arg2[%add3A_46] : memref<163840xi32, #tpu.memory_space<hbm>> -> memref<128xi32, #tpu.memory_space<hbm>>
        %dma_start3A_48 = tpu.memref_slice %arg2[%add3A_46] : memref<163840xi32, #tpu.memory_space<hbm>> -> memref<128xi32, #tpu.memory_space<hbm>>
        tpu.enqueue_dma source(%dma_start3A_48 : memref<128xi32, #tpu.memory_space<hbm>>) target(%arg7 : memref<128xi32, #tpu.memory_space<vmem>>) target_semaphore(%arg12 : memref<!tpu.dma_semaphore, #tpu.memory_space<semaphore_mem>>)
      } else {
      }
    }
    %scan3A_15 = arith.constant 20 : i32
    %barrier3A_16 = arith.constant 0 : index
    tpu.barrier barrier_id(%barrier3A_16)
    %mul3A_17 = arith.constant 640 : i32
    %mul3A_18 = arith.muli %arg1, %mul3A_17 : i32
    "tpu.region"() ({
      %run_scoped3A = tpu.sem_alloc : memref<!tpu.dma_semaphore, #tpu.memory_space<semaphore_mem>>
      %dma_start3A_21 = tpu.memref_slice %arg10[%mul3A_18] : memref<10240xf32, #tpu.memory_space<vmem_shared>> -> memref<640xf32, #tpu.memory_space<vmem_shared>>
      %dma_start3A_22 = tpu.memref_slice %arg10[%mul3A_18] : memref<10240xf32, #tpu.memory_space<vmem_shared>> -> memref<640xf32, #tpu.memory_space<vmem_shared>>
      tpu.enqueue_dma source(%dma_start3A_22 : memref<640xf32, #tpu.memory_space<vmem_shared>>) target(%arg9 : memref<640xf32, #tpu.memory_space<vmem>>) target_semaphore(%run_scoped3A : memref<!tpu.dma_semaphore, #tpu.memory_space<semaphore_mem>>)
      %dma_wait3A = tpu.memref_slice %arg10[%mul3A_18] : memref<10240xf32, #tpu.memory_space<vmem_shared>> -> memref<640xf32, #tpu.memory_space<vmem_shared>>
      %dma_wait3A_23 = tpu.memref_slice %arg10[%mul3A_18] : memref<10240xf32, #tpu.memory_space<vmem_shared>> -> memref<640xf32, #tpu.memory_space<vmem_shared>>
      tpu.wait_dma2 semaphore(%run_scoped3A : memref<!tpu.dma_semaphore, #tpu.memory_space<semaphore_mem>>) src(%dma_wait3A_23 : memref<640xf32, #tpu.memory_space<vmem_shared>>) dst(%arg9 : memref<640xf32, #tpu.memory_space<vmem>>)
      tpu.yield
    }) : () -> ()
    %mul3A_19 = arith.constant 640 : i32
    %mul3A_20 = arith.muli %arg1, %mul3A_19 : i32
    "tpu.region"() ({
      %run_scoped3A = tpu.sem_alloc : memref<!tpu.dma_semaphore, #tpu.memory_space<semaphore_mem>>
      %dma_start3A_21 = tpu.memref_slice %arg5[%arg0, %mul3A_20] : memref<2x10240xf32, #tpu.memory_space<hbm>> -> memref<1x640xf32, #tpu.memory_space<hbm>>
      %dma_start3A_22 = tpu.memref_squeeze %dma_start3A_21 : memref<1x640xf32, #tpu.memory_space<hbm>> -> memref<640xf32, #tpu.memory_space<hbm>>
      %dma_start3A_23 = tpu.memref_slice %arg5[%arg0, %mul3A_20] : memref<2x10240xf32, #tpu.memory_space<hbm>> -> memref<1x640xf32, #tpu.memory_space<hbm>>
      %dma_start3A_24 = tpu.memref_squeeze %dma_start3A_23 : memref<1x640xf32, #tpu.memory_space<hbm>> -> memref<640xf32, #tpu.memory_space<hbm>>
      tpu.enqueue_dma source(%arg9 : memref<640xf32, #tpu.memory_space<vmem>>) target(%dma_start3A_24 : memref<640xf32, #tpu.memory_space<hbm>>) target_semaphore(%run_scoped3A : memref<!tpu.dma_semaphore, #tpu.memory_space<semaphore_mem>>)
      %dma_wait3A = tpu.memref_slice %arg5[%arg0, %mul3A_20] : memref<2x10240xf32, #tpu.memory_space<hbm>> -> memref<1x640xf32, #tpu.memory_space<hbm>>
      %dma_wait3A_25 = tpu.memref_squeeze %dma_wait3A : memref<1x640xf32, #tpu.memory_space<hbm>> -> memref<640xf32, #tpu.memory_space<hbm>>
      %dma_wait3A_26 = tpu.memref_slice %arg5[%arg0, %mul3A_20] : memref<2x10240xf32, #tpu.memory_space<hbm>> -> memref<1x640xf32, #tpu.memory_space<hbm>>
      %dma_wait3A_27 = tpu.memref_squeeze %dma_wait3A_26 : memref<1x640xf32, #tpu.memory_space<hbm>> -> memref<640xf32, #tpu.memory_space<hbm>>
      tpu.wait_dma2 semaphore(%run_scoped3A : memref<!tpu.dma_semaphore, #tpu.memory_space<semaphore_mem>>) src(%arg9 : memref<640xf32, #tpu.memory_space<vmem>>) dst(%dma_wait3A_27 : memref<640xf32, #tpu.memory_space<hbm>>)
      tpu.yield
    }) : () -> ()
    return
  }
}

#map = affine_map<(d0, d1) -> (0)>
#map1 = affine_map<(d0, d1) -> (0, 0, 0)>
#map2 = affine_map<(d0, d1) -> (0, 0)>
module attributes {stable_mosaic.version = 14 : i64} {
  func.func @_sc_segsum(%arg0: i32, %arg1: i32, %arg2: memref<163840xi32, #tpu.memory_space<hbm>>, %arg3: memref<163840xi32, #tpu.memory_space<hbm>>, %arg4: memref<2x10000x128xf32, #tpu.memory_space<hbm>>, %arg5: memref<128x128xf32, #tpu.memory_space<hbm>>, %arg6: memref<2x10240x128xf32, #tpu.memory_space<hbm>>, %arg7: memref<10240xi32, #tpu.memory_space<vmem>>, %arg8: memref<128xi32, #tpu.memory_space<vmem>>, %arg9: memref<128xi32, #tpu.memory_space<vmem>>, %arg10: memref<128x128xf32, #tpu.memory_space<vmem>>, %arg11: memref<128x128xf32, #tpu.memory_space<vmem>>, %arg12: memref<10240x128xf32, #tpu.memory_space<vmem_shared>>, %arg13: memref<!tpu.dma_semaphore, #tpu.memory_space<semaphore_mem>>, %arg14: memref<!tpu.dma_semaphore, #tpu.memory_space<semaphore_mem>>, %arg15: memref<!tpu.dma_semaphore, #tpu.memory_space<semaphore_mem>>, %arg16: memref<!tpu.dma_semaphore, #tpu.memory_space<semaphore_mem>>) attributes {dimension_semantics = [#tpu.dimension_semantics<core_parallel>, #tpu.dimension_semantics<subcore_parallel>], iteration_bounds = array<i64: 2, 16>, scalar_prefetch = 0 : i64, scratch_operands = 10 : i64, tpu.core_type = #tpu.core_type<sc_vector_subcore>, window_params = [{transform_indices = #map}, {transform_indices = #map}, {transform_indices = #map1}, {transform_indices = #map2}, {transform_indices = #map1}]} {
    %mul3A = arith.constant 10240 : i32
    %mul3A_0 = arith.muli %arg1, %mul3A : i32
    "tpu.region"() ({
      %run_scoped3A = tpu.sem_alloc : memref<!tpu.dma_semaphore, #tpu.memory_space<semaphore_mem>>
      %dma_start3A_47 = tpu.memref_slice %arg2[%mul3A_0] : memref<163840xi32, #tpu.memory_space<hbm>> -> memref<10240xi32, #tpu.memory_space<hbm>>
      %dma_start3A_48 = tpu.memref_slice %arg2[%mul3A_0] : memref<163840xi32, #tpu.memory_space<hbm>> -> memref<10240xi32, #tpu.memory_space<hbm>>
      tpu.enqueue_dma source(%dma_start3A_48 : memref<10240xi32, #tpu.memory_space<hbm>>) target(%arg7 : memref<10240xi32, #tpu.memory_space<vmem>>) target_semaphore(%run_scoped3A : memref<!tpu.dma_semaphore, #tpu.memory_space<semaphore_mem>>)
      %dma_wait3A_49 = tpu.memref_slice %arg2[%mul3A_0] : memref<163840xi32, #tpu.memory_space<hbm>> -> memref<10240xi32, #tpu.memory_space<hbm>>
      %dma_wait3A_50 = tpu.memref_slice %arg2[%mul3A_0] : memref<163840xi32, #tpu.memory_space<hbm>> -> memref<10240xi32, #tpu.memory_space<hbm>>
      tpu.wait_dma2 semaphore(%run_scoped3A : memref<!tpu.dma_semaphore, #tpu.memory_space<semaphore_mem>>) src(%dma_wait3A_50 : memref<10240xi32, #tpu.memory_space<hbm>>) dst(%arg7 : memref<10240xi32, #tpu.memory_space<vmem>>)
      tpu.yield
    }) : () -> ()
    "tpu.region"() ({
      %run_scoped3A = tpu.sem_alloc : memref<!tpu.dma_semaphore, #tpu.memory_space<semaphore_mem>>
      tpu.enqueue_dma source(%arg5 : memref<128x128xf32, #tpu.memory_space<hbm>>) target(%arg10 : memref<128x128xf32, #tpu.memory_space<vmem>>) target_semaphore(%run_scoped3A : memref<!tpu.dma_semaphore, #tpu.memory_space<semaphore_mem>>)
      tpu.wait_dma2 semaphore(%run_scoped3A : memref<!tpu.dma_semaphore, #tpu.memory_space<semaphore_mem>>) src(%arg5 : memref<128x128xf32, #tpu.memory_space<hbm>>) dst(%arg10 : memref<128x128xf32, #tpu.memory_space<vmem>>)
      tpu.yield
    }) : () -> ()
    %mul3A_1 = arith.constant 640 : i32
    %mul3A_2 = arith.muli %arg1, %mul3A_1 : i32
    %add3A = arith.constant 0 : i32
    %add3A_3 = arith.addi %mul3A_2, %add3A : i32
    "tpu.region"() ({
      %run_scoped3A = tpu.sem_alloc : memref<!tpu.dma_semaphore, #tpu.memory_space<semaphore_mem>>
      %dma_start3A_47 = arith.constant 0 : i32
      %dma_start3A_48 = tpu.memref_slice %arg12[%add3A_3, %dma_start3A_47] : memref<10240x128xf32, #tpu.memory_space<vmem_shared>> -> memref<128x128xf32, #tpu.memory_space<vmem_shared>>
      %dma_start3A_49 = arith.constant 0 : i32
      %dma_start3A_50 = tpu.memref_slice %arg12[%add3A_3, %dma_start3A_49] : memref<10240x128xf32, #tpu.memory_space<vmem_shared>> -> memref<128x128xf32, #tpu.memory_space<vmem_shared>>
      tpu.enqueue_dma source(%arg10 : memref<128x128xf32, #tpu.memory_space<vmem>>) target(%dma_start3A_50 : memref<128x128xf32, #tpu.memory_space<vmem_shared>>) target_semaphore(%run_scoped3A : memref<!tpu.dma_semaphore, #tpu.memory_space<semaphore_mem>>)
      %dma_wait3A_51 = arith.constant 0 : i32
      %dma_wait3A_52 = tpu.memref_slice %arg12[%add3A_3, %dma_wait3A_51] : memref<10240x128xf32, #tpu.memory_space<vmem_shared>> -> memref<128x128xf32, #tpu.memory_space<vmem_shared>>
      %dma_wait3A_53 = arith.constant 0 : i32
      %dma_wait3A_54 = tpu.memref_slice %arg12[%add3A_3, %dma_wait3A_53] : memref<10240x128xf32, #tpu.memory_space<vmem_shared>> -> memref<128x128xf32, #tpu.memory_space<vmem_shared>>
      tpu.wait_dma2 semaphore(%run_scoped3A : memref<!tpu.dma_semaphore, #tpu.memory_space<semaphore_mem>>) src(%arg10 : memref<128x128xf32, #tpu.memory_space<vmem>>) dst(%dma_wait3A_54 : memref<128x128xf32, #tpu.memory_space<vmem_shared>>)
      tpu.yield
    }) : () -> ()
    %add3A_4 = arith.constant 128 : i32
    %add3A_5 = arith.addi %mul3A_2, %add3A_4 : i32
    "tpu.region"() ({
      %run_scoped3A = tpu.sem_alloc : memref<!tpu.dma_semaphore, #tpu.memory_space<semaphore_mem>>
      %dma_start3A_47 = arith.constant 0 : i32
      %dma_start3A_48 = tpu.memref_slice %arg12[%add3A_5, %dma_start3A_47] : memref<10240x128xf32, #tpu.memory_space<vmem_shared>> -> memref<128x128xf32, #tpu.memory_space<vmem_shared>>
      %dma_start3A_49 = arith.constant 0 : i32
      %dma_start3A_50 = tpu.memref_slice %arg12[%add3A_5, %dma_start3A_49] : memref<10240x128xf32, #tpu.memory_space<vmem_shared>> -> memref<128x128xf32, #tpu.memory_space<vmem_shared>>
      tpu.enqueue_dma source(%arg10 : memref<128x128xf32, #tpu.memory_space<vmem>>) target(%dma_start3A_50 : memref<128x128xf32, #tpu.memory_space<vmem_shared>>) target_semaphore(%run_scoped3A : memref<!tpu.dma_semaphore, #tpu.memory_space<semaphore_mem>>)
      %dma_wait3A_51 = arith.constant 0 : i32
      %dma_wait3A_52 = tpu.memref_slice %arg12[%add3A_5, %dma_wait3A_51] : memref<10240x128xf32, #tpu.memory_space<vmem_shared>> -> memref<128x128xf32, #tpu.memory_space<vmem_shared>>
      %dma_wait3A_53 = arith.constant 0 : i32
      %dma_wait3A_54 = tpu.memref_slice %arg12[%add3A_5, %dma_wait3A_53] : memref<10240x128xf32, #tpu.memory_space<vmem_shared>> -> memref<128x128xf32, #tpu.memory_space<vmem_shared>>
      tpu.wait_dma2 semaphore(%run_scoped3A : memref<!tpu.dma_semaphore, #tpu.memory_space<semaphore_mem>>) src(%arg10 : memref<128x128xf32, #tpu.memory_space<vmem>>) dst(%dma_wait3A_54 : memref<128x128xf32, #tpu.memory_space<vmem_shared>>)
      tpu.yield
    }) : () -> ()
    %add3A_6 = arith.constant 256 : i32
    %add3A_7 = arith.addi %mul3A_2, %add3A_6 : i32
    "tpu.region"() ({
      %run_scoped3A = tpu.sem_alloc : memref<!tpu.dma_semaphore, #tpu.memory_space<semaphore_mem>>
      %dma_start3A_47 = arith.constant 0 : i32
      %dma_start3A_48 = tpu.memref_slice %arg12[%add3A_7, %dma_start3A_47] : memref<10240x128xf32, #tpu.memory_space<vmem_shared>> -> memref<128x128xf32, #tpu.memory_space<vmem_shared>>
      %dma_start3A_49 = arith.constant 0 : i32
      %dma_start3A_50 = tpu.memref_slice %arg12[%add3A_7, %dma_start3A_49] : memref<10240x128xf32, #tpu.memory_space<vmem_shared>> -> memref<128x128xf32, #tpu.memory_space<vmem_shared>>
      tpu.enqueue_dma source(%arg10 : memref<128x128xf32, #tpu.memory_space<vmem>>) target(%dma_start3A_50 : memref<128x128xf32, #tpu.memory_space<vmem_shared>>) target_semaphore(%run_scoped3A : memref<!tpu.dma_semaphore, #tpu.memory_space<semaphore_mem>>)
      %dma_wait3A_51 = arith.constant 0 : i32
      %dma_wait3A_52 = tpu.memref_slice %arg12[%add3A_7, %dma_wait3A_51] : memref<10240x128xf32, #tpu.memory_space<vmem_shared>> -> memref<128x128xf32, #tpu.memory_space<vmem_shared>>
      %dma_wait3A_53 = arith.constant 0 : i32
      %dma_wait3A_54 = tpu.memref_slice %arg12[%add3A_7, %dma_wait3A_53] : memref<10240x128xf32, #tpu.memory_space<vmem_shared>> -> memref<128x128xf32, #tpu.memory_space<vmem_shared>>
      tpu.wait_dma2 semaphore(%run_scoped3A : memref<!tpu.dma_semaphore, #tpu.memory_space<semaphore_mem>>) src(%arg10 : memref<128x128xf32, #tpu.memory_space<vmem>>) dst(%dma_wait3A_54 : memref<128x128xf32, #tpu.memory_space<vmem_shared>>)
      tpu.yield
    }) : () -> ()
    %add3A_8 = arith.constant 384 : i32
    %add3A_9 = arith.addi %mul3A_2, %add3A_8 : i32
    "tpu.region"() ({
      %run_scoped3A = tpu.sem_alloc : memref<!tpu.dma_semaphore, #tpu.memory_space<semaphore_mem>>
      %dma_start3A_47 = arith.constant 0 : i32
      %dma_start3A_48 = tpu.memref_slice %arg12[%add3A_9, %dma_start3A_47] : memref<10240x128xf32, #tpu.memory_space<vmem_shared>> -> memref<128x128xf32, #tpu.memory_space<vmem_shared>>
      %dma_start3A_49 = arith.constant 0 : i32
      %dma_start3A_50 = tpu.memref_slice %arg12[%add3A_9, %dma_start3A_49] : memref<10240x128xf32, #tpu.memory_space<vmem_shared>> -> memref<128x128xf32, #tpu.memory_space<vmem_shared>>
      tpu.enqueue_dma source(%arg10 : memref<128x128xf32, #tpu.memory_space<vmem>>) target(%dma_start3A_50 : memref<128x128xf32, #tpu.memory_space<vmem_shared>>) target_semaphore(%run_scoped3A : memref<!tpu.dma_semaphore, #tpu.memory_space<semaphore_mem>>)
      %dma_wait3A_51 = arith.constant 0 : i32
      %dma_wait3A_52 = tpu.memref_slice %arg12[%add3A_9, %dma_wait3A_51] : memref<10240x128xf32, #tpu.memory_space<vmem_shared>> -> memref<128x128xf32, #tpu.memory_space<vmem_shared>>
      %dma_wait3A_53 = arith.constant 0 : i32
      %dma_wait3A_54 = tpu.memref_slice %arg12[%add3A_9, %dma_wait3A_53] : memref<10240x128xf32, #tpu.memory_space<vmem_shared>> -> memref<128x128xf32, #tpu.memory_space<vmem_shared>>
      tpu.wait_dma2 semaphore(%run_scoped3A : memref<!tpu.dma_semaphore, #tpu.memory_space<semaphore_mem>>) src(%arg10 : memref<128x128xf32, #tpu.memory_space<vmem>>) dst(%dma_wait3A_54 : memref<128x128xf32, #tpu.memory_space<vmem_shared>>)
      tpu.yield
    }) : () -> ()
    %add3A_10 = arith.constant 512 : i32
    %add3A_11 = arith.addi %mul3A_2, %add3A_10 : i32
    "tpu.region"() ({
      %run_scoped3A = tpu.sem_alloc : memref<!tpu.dma_semaphore, #tpu.memory_space<semaphore_mem>>
      %dma_start3A_47 = arith.constant 0 : i32
      %dma_start3A_48 = tpu.memref_slice %arg12[%add3A_11, %dma_start3A_47] : memref<10240x128xf32, #tpu.memory_space<vmem_shared>> -> memref<128x128xf32, #tpu.memory_space<vmem_shared>>
      %dma_start3A_49 = arith.constant 0 : i32
      %dma_start3A_50 = tpu.memref_slice %arg12[%add3A_11, %dma_start3A_49] : memref<10240x128xf32, #tpu.memory_space<vmem_shared>> -> memref<128x128xf32, #tpu.memory_space<vmem_shared>>
      tpu.enqueue_dma source(%arg10 : memref<128x128xf32, #tpu.memory_space<vmem>>) target(%dma_start3A_50 : memref<128x128xf32, #tpu.memory_space<vmem_shared>>) target_semaphore(%run_scoped3A : memref<!tpu.dma_semaphore, #tpu.memory_space<semaphore_mem>>)
      %dma_wait3A_51 = arith.constant 0 : i32
      %dma_wait3A_52 = tpu.memref_slice %arg12[%add3A_11, %dma_wait3A_51] : memref<10240x128xf32, #tpu.memory_space<vmem_shared>> -> memref<128x128xf32, #tpu.memory_space<vmem_shared>>
      %dma_wait3A_53 = arith.constant 0 : i32
      %dma_wait3A_54 = tpu.memref_slice %arg12[%add3A_11, %dma_wait3A_53] : memref<10240x128xf32, #tpu.memory_space<vmem_shared>> -> memref<128x128xf32, #tpu.memory_space<vmem_shared>>
      tpu.wait_dma2 semaphore(%run_scoped3A : memref<!tpu.dma_semaphore, #tpu.memory_space<semaphore_mem>>) src(%arg10 : memref<128x128xf32, #tpu.memory_space<vmem>>) dst(%dma_wait3A_54 : memref<128x128xf32, #tpu.memory_space<vmem_shared>>)
      tpu.yield
    }) : () -> ()
    %dma_start3A = arith.constant 0 : i32
    %dma_start3A_12 = tpu.memref_slice %arg7[%dma_start3A] : memref<10240xi32, #tpu.memory_space<vmem>> -> memref<128xi32, #tpu.memory_space<vmem>>
    %dma_start3A_13 = arith.constant 0 : i32
    %dma_start3A_14 = arith.constant 0 : i32
    %dma_start3A_15 = tpu.memref_slice %arg4[%arg0, %dma_start3A_13, %dma_start3A_14] : memref<2x10000x128xf32, #tpu.memory_space<hbm>> -> memref<1x10000x128xf32, #tpu.memory_space<hbm>>
    %dma_start3A_16 = tpu.memref_squeeze %dma_start3A_15 : memref<1x10000x128xf32, #tpu.memory_space<hbm>> -> memref<10000x128xf32, #tpu.memory_space<hbm>>
    %dma_start3A_17 = arith.constant 0 : i32
    %dma_start3A_18 = arith.constant 0 : i32
    %dma_start3A_19 = tpu.memref_slice %dma_start3A_16[%dma_start3A_17, %dma_start3A_18] : memref<10000x128xf32, #tpu.memory_space<hbm>> -> memref<10000x128xf32, #tpu.memory_space<hbm>>
    tpu.enqueue_indirect_dma source(%dma_start3A_19 : memref<10000x128xf32, #tpu.memory_space<hbm>>) target(%arg10 : memref<128x128xf32, #tpu.memory_space<vmem>>) offsets(%dma_start3A_12 : memref<128xi32, #tpu.memory_space<vmem>>) semaphore(%arg13 : memref<!tpu.dma_semaphore, #tpu.memory_space<semaphore_mem>>)
    %add3A_20 = arith.constant 0 : i32
    %add3A_21 = arith.addi %mul3A_0, %add3A_20 : i32
    %dma_start3A_22 = tpu.memref_slice %arg3[%add3A_21] : memref<163840xi32, #tpu.memory_space<hbm>> -> memref<128xi32, #tpu.memory_space<hbm>>
    %dma_start3A_23 = tpu.memref_slice %arg3[%add3A_21] : memref<163840xi32, #tpu.memory_space<hbm>> -> memref<128xi32, #tpu.memory_space<hbm>>
    tpu.enqueue_dma source(%dma_start3A_23 : memref<128xi32, #tpu.memory_space<hbm>>) target(%arg8 : memref<128xi32, #tpu.memory_space<vmem>>) target_semaphore(%arg13 : memref<!tpu.dma_semaphore, #tpu.memory_space<semaphore_mem>>)
    %dma_start3A_24 = arith.constant 128 : i32
    %dma_start3A_25 = tpu.memref_slice %arg7[%dma_start3A_24] : memref<10240xi32, #tpu.memory_space<vmem>> -> memref<128xi32, #tpu.memory_space<vmem>>
    %dma_start3A_26 = arith.constant 0 : i32
    %dma_start3A_27 = arith.constant 0 : i32
    %dma_start3A_28 = tpu.memref_slice %arg4[%arg0, %dma_start3A_26, %dma_start3A_27] : memref<2x10000x128xf32, #tpu.memory_space<hbm>> -> memref<1x10000x128xf32, #tpu.memory_space<hbm>>
    %dma_start3A_29 = tpu.memref_squeeze %dma_start3A_28 : memref<1x10000x128xf32, #tpu.memory_space<hbm>> -> memref<10000x128xf32, #tpu.memory_space<hbm>>
    %dma_start3A_30 = arith.constant 0 : i32
    %dma_start3A_31 = arith.constant 0 : i32
    %dma_start3A_32 = tpu.memref_slice %dma_start3A_29[%dma_start3A_30, %dma_start3A_31] : memref<10000x128xf32, #tpu.memory_space<hbm>> -> memref<10000x128xf32, #tpu.memory_space<hbm>>
    tpu.enqueue_indirect_dma source(%dma_start3A_32 : memref<10000x128xf32, #tpu.memory_space<hbm>>) target(%arg11 : memref<128x128xf32, #tpu.memory_space<vmem>>) offsets(%dma_start3A_25 : memref<128xi32, #tpu.memory_space<vmem>>) semaphore(%arg14 : memref<!tpu.dma_semaphore, #tpu.memory_space<semaphore_mem>>)
    %add3A_33 = arith.constant 128 : i32
    %add3A_34 = arith.addi %mul3A_0, %add3A_33 : i32
    %dma_start3A_35 = tpu.memref_slice %arg3[%add3A_34] : memref<163840xi32, #tpu.memory_space<hbm>> -> memref<128xi32, #tpu.memory_space<hbm>>
    %dma_start3A_36 = tpu.memref_slice %arg3[%add3A_34] : memref<163840xi32, #tpu.memory_space<hbm>> -> memref<128xi32, #tpu.memory_space<hbm>>
    tpu.enqueue_dma source(%dma_start3A_36 : memref<128xi32, #tpu.memory_space<hbm>>) target(%arg9 : memref<128xi32, #tpu.memory_space<vmem>>) target_semaphore(%arg14 : memref<!tpu.dma_semaphore, #tpu.memory_space<semaphore_mem>>)
    %barrier3A = arith.constant 0 : index
    tpu.barrier barrier_id(%barrier3A)
    %scan3A = arith.constant 0 : i32
    %scan3A_37 = arith.constant 40 : i32
    %scan3A_38 = arith.addi %scan3A, %scan3A_37 : i32
    %scan3A_39 = arith.constant 1 : i32
    scf.for %scan3A_47 = %scan3A to %scan3A_38 step %scan3A_39  : i32 {
      %mul3A_48 = arith.constant 2 : i32
      %mul3A_49 = arith.muli %scan3A_47, %mul3A_48 : i32
      %add3A_50 = arith.constant 0 : i32
      %add3A_51 = arith.addi %add3A_50, %mul3A_49 : i32
      %mul3A_52 = arith.constant 128 : i32
      %mul3A_53 = arith.muli %add3A_51, %mul3A_52 : i32
      %dma_wait3A_54 = tpu.memref_slice %arg7[%mul3A_53] : memref<10240xi32, #tpu.memory_space<vmem>> -> memref<128xi32, #tpu.memory_space<vmem>>
      %dma_wait3A_55 = arith.constant 0 : i32
      %dma_wait3A_56 = arith.constant 0 : i32
      %dma_wait3A_57 = tpu.memref_slice %arg4[%arg0, %dma_wait3A_55, %dma_wait3A_56] : memref<2x10000x128xf32, #tpu.memory_space<hbm>> -> memref<1x10000x128xf32, #tpu.memory_space<hbm>>
      %dma_wait3A_58 = tpu.memref_squeeze %dma_wait3A_57 : memref<1x10000x128xf32, #tpu.memory_space<hbm>> -> memref<10000x128xf32, #tpu.memory_space<hbm>>
      %dma_wait3A_59 = arith.constant 0 : i32
      %dma_wait3A_60 = arith.constant 0 : i32
      %dma_wait3A_61 = tpu.memref_slice %dma_wait3A_58[%dma_wait3A_59, %dma_wait3A_60] : memref<10000x128xf32, #tpu.memory_space<hbm>> -> memref<10000x128xf32, #tpu.memory_space<hbm>>
      tpu.wait_indirect_dma semaphore(%arg13 : memref<!tpu.dma_semaphore, #tpu.memory_space<semaphore_mem>>) src(%dma_wait3A_61 : memref<10000x128xf32, #tpu.memory_space<hbm>>) dst(%arg10 : memref<128x128xf32, #tpu.memory_space<vmem>>)
      %mul3A_62 = arith.constant 128 : i32
      %mul3A_63 = arith.muli %add3A_51, %mul3A_62 : i32
      %add3A_64 = arith.addi %mul3A_0, %mul3A_63 : i32
      %dma_wait3A_65 = tpu.memref_slice %arg3[%add3A_64] : memref<163840xi32, #tpu.memory_space<hbm>> -> memref<128xi32, #tpu.memory_space<hbm>>
      %dma_wait3A_66 = tpu.memref_slice %arg3[%add3A_64] : memref<163840xi32, #tpu.memory_space<hbm>> -> memref<128xi32, #tpu.memory_space<hbm>>
      tpu.wait_dma2 semaphore(%arg13 : memref<!tpu.dma_semaphore, #tpu.memory_space<semaphore_mem>>) src(%dma_wait3A_66 : memref<128xi32, #tpu.memory_space<hbm>>) dst(%arg8 : memref<128xi32, #tpu.memory_space<vmem>>)
      %dma_start3A_67 = arith.constant 0 : i32
      %dma_start3A_68 = arith.constant 0 : i32
      %dma_start3A_69 = tpu.memref_slice %arg12[%dma_start3A_67, %dma_start3A_68] : memref<10240x128xf32, #tpu.memory_space<vmem_shared>> -> memref<10240x128xf32, #tpu.memory_space<vmem_shared>>
      tpu.enqueue_indirect_dma source(%arg10 : memref<128x128xf32, #tpu.memory_space<vmem>>) target(%dma_start3A_69 : memref<10240x128xf32, #tpu.memory_space<vmem_shared>>) offsets(%arg8 : memref<128xi32, #tpu.memory_space<vmem>>) semaphore(%arg15 : memref<!tpu.dma_semaphore, #tpu.memory_space<semaphore_mem>>) {add = true}
      %add3A_70 = arith.constant 2 : i32
      %add3A_71 = arith.addi %add3A_51, %add3A_70 : i32
      %lt3A = arith.constant 80 : i32
      %lt3A_72 = arith.cmpi slt, %add3A_71, %lt3A : i32
      %convert_element_type3A = arith.extui %lt3A_72 : i1 to i32
      %cond3A = arith.constant 0 : i32
      %cond3A_73 = arith.cmpi ne, %convert_element_type3A, %cond3A : i32
      scf.if %cond3A_73 {
        %add3A_101 = arith.constant 2 : i32
        %add3A_102 = arith.addi %add3A_51, %add3A_101 : i32
        %dma_wait3A_103 = arith.constant 0 : i32
        %dma_wait3A_104 = arith.constant 0 : i32
        %dma_wait3A_105 = tpu.memref_slice %arg12[%dma_wait3A_103, %dma_wait3A_104] : memref<10240x128xf32, #tpu.memory_space<vmem_shared>> -> memref<10240x128xf32, #tpu.memory_space<vmem_shared>>
        tpu.wait_indirect_dma semaphore(%arg15 : memref<!tpu.dma_semaphore, #tpu.memory_space<semaphore_mem>>) src(%arg10 : memref<128x128xf32, #tpu.memory_space<vmem>>) dst(%dma_wait3A_105 : memref<10240x128xf32, #tpu.memory_space<vmem_shared>>)
        %mul3A_106 = arith.constant 128 : i32
        %mul3A_107 = arith.muli %add3A_102, %mul3A_106 : i32
        %dma_start3A_108 = tpu.memref_slice %arg7[%mul3A_107] : memref<10240xi32, #tpu.memory_space<vmem>> -> memref<128xi32, #tpu.memory_space<vmem>>
        %dma_start3A_109 = arith.constant 0 : i32
        %dma_start3A_110 = arith.constant 0 : i32
        %dma_start3A_111 = tpu.memref_slice %arg4[%arg0, %dma_start3A_109, %dma_start3A_110] : memref<2x10000x128xf32, #tpu.memory_space<hbm>> -> memref<1x10000x128xf32, #tpu.memory_space<hbm>>
        %dma_start3A_112 = tpu.memref_squeeze %dma_start3A_111 : memref<1x10000x128xf32, #tpu.memory_space<hbm>> -> memref<10000x128xf32, #tpu.memory_space<hbm>>
        %dma_start3A_113 = arith.constant 0 : i32
        %dma_start3A_114 = arith.constant 0 : i32
        %dma_start3A_115 = tpu.memref_slice %dma_start3A_112[%dma_start3A_113, %dma_start3A_114] : memref<10000x128xf32, #tpu.memory_space<hbm>> -> memref<10000x128xf32, #tpu.memory_space<hbm>>
        tpu.enqueue_indirect_dma source(%dma_start3A_115 : memref<10000x128xf32, #tpu.memory_space<hbm>>) target(%arg10 : memref<128x128xf32, #tpu.memory_space<vmem>>) offsets(%dma_start3A_108 : memref<128xi32, #tpu.memory_space<vmem>>) semaphore(%arg13 : memref<!tpu.dma_semaphore, #tpu.memory_space<semaphore_mem>>)
        %mul3A_116 = arith.constant 128 : i32
        %mul3A_117 = arith.muli %add3A_102, %mul3A_116 : i32
        %add3A_118 = arith.addi %mul3A_0, %mul3A_117 : i32
        %dma_start3A_119 = tpu.memref_slice %arg3[%add3A_118] : memref<163840xi32, #tpu.memory_space<hbm>> -> memref<128xi32, #tpu.memory_space<hbm>>
        %dma_start3A_120 = tpu.memref_slice %arg3[%add3A_118] : memref<163840xi32, #tpu.memory_space<hbm>> -> memref<128xi32, #tpu.memory_space<hbm>>
        tpu.enqueue_dma source(%dma_start3A_120 : memref<128xi32, #tpu.memory_space<hbm>>) target(%arg8 : memref<128xi32, #tpu.memory_space<vmem>>) target_semaphore(%arg13 : memref<!tpu.dma_semaphore, #tpu.memory_space<semaphore_mem>>)
      } else {
      }
      %add3A_74 = arith.constant 1 : i32
      %add3A_75 = arith.addi %add3A_51, %add3A_74 : i32
      %mul3A_76 = arith.constant 128 : i32
      %mul3A_77 = arith.muli %add3A_75, %mul3A_76 : i32
      %dma_wait3A_78 = tpu.memref_slice %arg7[%mul3A_77] : memref<10240xi32, #tpu.memory_space<vmem>> -> memref<128xi32, #tpu.memory_space<vmem>>
      %dma_wait3A_79 = arith.constant 0 : i32
      %dma_wait3A_80 = arith.constant 0 : i32
      %dma_wait3A_81 = tpu.memref_slice %arg4[%arg0, %dma_wait3A_79, %dma_wait3A_80] : memref<2x10000x128xf32, #tpu.memory_space<hbm>> -> memref<1x10000x128xf32, #tpu.memory_space<hbm>>
      %dma_wait3A_82 = tpu.memref_squeeze %dma_wait3A_81 : memref<1x10000x128xf32, #tpu.memory_space<hbm>> -> memref<10000x128xf32, #tpu.memory_space<hbm>>
      %dma_wait3A_83 = arith.constant 0 : i32
      %dma_wait3A_84 = arith.constant 0 : i32
      %dma_wait3A_85 = tpu.memref_slice %dma_wait3A_82[%dma_wait3A_83, %dma_wait3A_84] : memref<10000x128xf32, #tpu.memory_space<hbm>> -> memref<10000x128xf32, #tpu.memory_space<hbm>>
      tpu.wait_indirect_dma semaphore(%arg14 : memref<!tpu.dma_semaphore, #tpu.memory_space<semaphore_mem>>) src(%dma_wait3A_85 : memref<10000x128xf32, #tpu.memory_space<hbm>>) dst(%arg11 : memref<128x128xf32, #tpu.memory_space<vmem>>)
      %mul3A_86 = arith.constant 128 : i32
      %mul3A_87 = arith.muli %add3A_75, %mul3A_86 : i32
      %add3A_88 = arith.addi %mul3A_0, %mul3A_87 : i32
      %dma_wait3A_89 = tpu.memref_slice %arg3[%add3A_88] : memref<163840xi32, #tpu.memory_space<hbm>> -> memref<128xi32, #tpu.memory_space<hbm>>
      %dma_wait3A_90 = tpu.memref_slice %arg3[%add3A_88] : memref<163840xi32, #tpu.memory_space<hbm>> -> memref<128xi32, #tpu.memory_space<hbm>>
      tpu.wait_dma2 semaphore(%arg14 : memref<!tpu.dma_semaphore, #tpu.memory_space<semaphore_mem>>) src(%dma_wait3A_90 : memref<128xi32, #tpu.memory_space<hbm>>) dst(%arg9 : memref<128xi32, #tpu.memory_space<vmem>>)
      %dma_start3A_91 = arith.constant 0 : i32
      %dma_start3A_92 = arith.constant 0 : i32
      %dma_start3A_93 = tpu.memref_slice %arg12[%dma_start3A_91, %dma_start3A_92] : memref<10240x128xf32, #tpu.memory_space<vmem_shared>> -> memref<10240x128xf32, #tpu.memory_space<vmem_shared>>
      tpu.enqueue_indirect_dma source(%arg11 : memref<128x128xf32, #tpu.memory_space<vmem>>) target(%dma_start3A_93 : memref<10240x128xf32, #tpu.memory_space<vmem_shared>>) offsets(%arg9 : memref<128xi32, #tpu.memory_space<vmem>>) semaphore(%arg16 : memref<!tpu.dma_semaphore, #tpu.memory_space<semaphore_mem>>) {add = true}
      %add3A_94 = arith.constant 3 : i32
      %add3A_95 = arith.addi %add3A_51, %add3A_94 : i32
      %lt3A_96 = arith.constant 80 : i32
      %lt3A_97 = arith.cmpi slt, %add3A_95, %lt3A_96 : i32
      %convert_element_type3A_98 = arith.extui %lt3A_97 : i1 to i32
      %cond3A_99 = arith.constant 0 : i32
      %cond3A_100 = arith.cmpi ne, %convert_element_type3A_98, %cond3A_99 : i32
      scf.if %cond3A_100 {
        %add3A_101 = arith.constant 3 : i32
        %add3A_102 = arith.addi %add3A_51, %add3A_101 : i32
        %dma_wait3A_103 = arith.constant 0 : i32
        %dma_wait3A_104 = arith.constant 0 : i32
        %dma_wait3A_105 = tpu.memref_slice %arg12[%dma_wait3A_103, %dma_wait3A_104] : memref<10240x128xf32, #tpu.memory_space<vmem_shared>> -> memref<10240x128xf32, #tpu.memory_space<vmem_shared>>
        tpu.wait_indirect_dma semaphore(%arg16 : memref<!tpu.dma_semaphore, #tpu.memory_space<semaphore_mem>>) src(%arg11 : memref<128x128xf32, #tpu.memory_space<vmem>>) dst(%dma_wait3A_105 : memref<10240x128xf32, #tpu.memory_space<vmem_shared>>)
        %mul3A_106 = arith.constant 128 : i32
        %mul3A_107 = arith.muli %add3A_102, %mul3A_106 : i32
        %dma_start3A_108 = tpu.memref_slice %arg7[%mul3A_107] : memref<10240xi32, #tpu.memory_space<vmem>> -> memref<128xi32, #tpu.memory_space<vmem>>
        %dma_start3A_109 = arith.constant 0 : i32
        %dma_start3A_110 = arith.constant 0 : i32
        %dma_start3A_111 = tpu.memref_slice %arg4[%arg0, %dma_start3A_109, %dma_start3A_110] : memref<2x10000x128xf32, #tpu.memory_space<hbm>> -> memref<1x10000x128xf32, #tpu.memory_space<hbm>>
        %dma_start3A_112 = tpu.memref_squeeze %dma_start3A_111 : memref<1x10000x128xf32, #tpu.memory_space<hbm>> -> memref<10000x128xf32, #tpu.memory_space<hbm>>
        %dma_start3A_113 = arith.constant 0 : i32
        %dma_start3A_114 = arith.constant 0 : i32
        %dma_start3A_115 = tpu.memref_slice %dma_start3A_112[%dma_start3A_113, %dma_start3A_114] : memref<10000x128xf32, #tpu.memory_space<hbm>> -> memref<10000x128xf32, #tpu.memory_space<hbm>>
        tpu.enqueue_indirect_dma source(%dma_start3A_115 : memref<10000x128xf32, #tpu.memory_space<hbm>>) target(%arg11 : memref<128x128xf32, #tpu.memory_space<vmem>>) offsets(%dma_start3A_108 : memref<128xi32, #tpu.memory_space<vmem>>) semaphore(%arg14 : memref<!tpu.dma_semaphore, #tpu.memory_space<semaphore_mem>>)
        %mul3A_116 = arith.constant 128 : i32
        %mul3A_117 = arith.muli %add3A_102, %mul3A_116 : i32
        %add3A_118 = arith.addi %mul3A_0, %mul3A_117 : i32
        %dma_start3A_119 = tpu.memref_slice %arg3[%add3A_118] : memref<163840xi32, #tpu.memory_space<hbm>> -> memref<128xi32, #tpu.memory_space<hbm>>
        %dma_start3A_120 = tpu.memref_slice %arg3[%add3A_118] : memref<163840xi32, #tpu.memory_space<hbm>> -> memref<128xi32, #tpu.memory_space<hbm>>
        tpu.enqueue_dma source(%dma_start3A_120 : memref<128xi32, #tpu.memory_space<hbm>>) target(%arg9 : memref<128xi32, #tpu.memory_space<vmem>>) target_semaphore(%arg14 : memref<!tpu.dma_semaphore, #tpu.memory_space<semaphore_mem>>)
      } else {
      }
    }
    %scan3A_40 = arith.constant 40 : i32
    %dma_wait3A = arith.constant 0 : i32
    %dma_wait3A_41 = arith.constant 0 : i32
    %dma_wait3A_42 = tpu.memref_slice %arg12[%dma_wait3A, %dma_wait3A_41] : memref<10240x128xf32, #tpu.memory_space<vmem_shared>> -> memref<10240x128xf32, #tpu.memory_space<vmem_shared>>
    tpu.wait_indirect_dma semaphore(%arg15 : memref<!tpu.dma_semaphore, #tpu.memory_space<semaphore_mem>>) src(%arg10 : memref<128x128xf32, #tpu.memory_space<vmem>>) dst(%dma_wait3A_42 : memref<10240x128xf32, #tpu.memory_space<vmem_shared>>)
    %dma_wait3A_43 = arith.constant 0 : i32
    %dma_wait3A_44 = arith.constant 0 : i32
    %dma_wait3A_45 = tpu.memref_slice %arg12[%dma_wait3A_43, %dma_wait3A_44] : memref<10240x128xf32, #tpu.memory_space<vmem_shared>> -> memref<10240x128xf32, #tpu.memory_space<vmem_shared>>
    tpu.wait_indirect_dma semaphore(%arg16 : memref<!tpu.dma_semaphore, #tpu.memory_space<semaphore_mem>>) src(%arg11 : memref<128x128xf32, #tpu.memory_space<vmem>>) dst(%dma_wait3A_45 : memref<10240x128xf32, #tpu.memory_space<vmem_shared>>)
    %barrier3A_46 = arith.constant 0 : index
    tpu.barrier barrier_id(%barrier3A_46)
    "tpu.region"() ({
      %run_scoped3A = tpu.sem_alloc : memref<!tpu.dma_semaphore, #tpu.memory_space<semaphore_mem>>
      %dma_start3A_47 = arith.constant 0 : i32
      %dma_start3A_48 = tpu.memref_slice %arg6[%arg0, %mul3A_2, %dma_start3A_47] : memref<2x10240x128xf32, #tpu.memory_space<hbm>> -> memref<1x640x128xf32, #tpu.memory_space<hbm>>
      %dma_start3A_49 = tpu.memref_squeeze %dma_start3A_48 : memref<1x640x128xf32, #tpu.memory_space<hbm>> -> memref<640x128xf32, #tpu.memory_space<hbm>>
      %dma_start3A_50 = arith.constant 0 : i32
      %dma_start3A_51 = tpu.memref_slice %arg12[%mul3A_2, %dma_start3A_50] : memref<10240x128xf32, #tpu.memory_space<vmem_shared>> -> memref<640x128xf32, #tpu.memory_space<vmem_shared>>
      tpu.enqueue_dma source(%dma_start3A_51 : memref<640x128xf32, #tpu.memory_space<vmem_shared>>) target(%dma_start3A_49 : memref<640x128xf32, #tpu.memory_space<hbm>>) target_semaphore(%run_scoped3A : memref<!tpu.dma_semaphore, #tpu.memory_space<semaphore_mem>>)
      %dma_wait3A_52 = arith.constant 0 : i32
      %dma_wait3A_53 = tpu.memref_slice %arg6[%arg0, %mul3A_2, %dma_wait3A_52] : memref<2x10240x128xf32, #tpu.memory_space<hbm>> -> memref<1x640x128xf32, #tpu.memory_space<hbm>>
      %dma_wait3A_54 = tpu.memref_squeeze %dma_wait3A_53 : memref<1x640x128xf32, #tpu.memory_space<hbm>> -> memref<640x128xf32, #tpu.memory_space<hbm>>
      %dma_wait3A_55 = arith.constant 0 : i32
      %dma_wait3A_56 = tpu.memref_slice %arg12[%mul3A_2, %dma_wait3A_55] : memref<10240x128xf32, #tpu.memory_space<vmem_shared>> -> memref<640x128xf32, #tpu.memory_space<vmem_shared>>
      tpu.wait_dma2 semaphore(%run_scoped3A : memref<!tpu.dma_semaphore, #tpu.memory_space<semaphore_mem>>) src(%dma_wait3A_56 : memref<640x128xf32, #tpu.memory_space<vmem_shared>>) dst(%dma_wait3A_54 : memref<640x128xf32, #tpu.memory_space<hbm>>)
      tpu.yield
    }) : () -> ()
    return
  }
}

module attributes {stable_mosaic.version = 14 : i64} {
  func.func @body(%arg0: i32, %arg1: memref<1000x256xf32, #tpu.memory_space<vmem>>, %arg2: memref<256x256xf32, #tpu.memory_space<vmem>>, %arg3: memref<2x1000x128xf32, #tpu.memory_space<vmem>>) attributes {dimension_semantics = [#tpu.dimension_semantics<arbitrary>], iteration_bounds = array<i64: 10>, scalar_prefetch = 0 : i64, scratch_operands = 0 : i64, tpu.core_type = #tpu.core_type<tc>, window_params = [{transform_indices = @transform_0, window_bounds = array<i64: 1000, 256>}, {pipeline_mode = #tpu.pipeline_mode<synchronous>, transform_indices = @transform_1, window_bounds = array<i64: 256, 256>}, {transform_indices = @transform_2, window_bounds = array<i64: 2, 1000, 128>}]} {
    %get3A = arith.constant 0 : index
    %get3A_0 = arith.constant 0 : index
    %get3A_1 = vector.load %arg1[%get3A, %get3A_0] : memref<1000x256xf32, #tpu.memory_space<vmem>>, vector<1000x256xf32>
    %get3A_2 = arith.constant 0 : index
    %get3A_3 = arith.constant 0 : index
    %get3A_4 = vector.load %arg2[%get3A_2, %get3A_3] : memref<256x256xf32, #tpu.memory_space<vmem>>, vector<256x256xf32>
    %dot_general3A = arith.constant dense<0.000000e+00> : vector<1000x256xf32>
    %dot_general3A_5 = tpu.matmul %get3A_1, %get3A_4, %dot_general3A {dimension_numbers = #tpu.dot_dimension_numbers<[1], [0], [0], [1], [0, 0, 1, 1], [], []>, precision = #tpu.contract_precision<fp32>, transpose_lhs_hint = false} : vector<1000x256xf32>, vector<256x256xf32>, vector<1000x256xf32> -> vector<1000x256xf32>
    %slice3A = vector.extract_strided_slice %dot_general3A_5 {offsets = [0, 0], sizes = [1000, 128], strides = [1, 1]} : vector<1000x256xf32> to vector<1000x128xf32>
    %swap3A = arith.constant 0 : index
    %swap3A_6 = arith.constant 0 : index
    %swap3A_7 = arith.constant 0 : index
    %swap3A_8 = vector.load %arg3[%swap3A, %swap3A_6, %swap3A_7] : memref<2x1000x128xf32, #tpu.memory_space<vmem>>, vector<1x1000x128xf32>
    %swap3A_9 = vector.shape_cast %swap3A_8 : vector<1x1000x128xf32> to vector<1000x128xf32>
    %swap3A_10 = vector.shape_cast %slice3A : vector<1000x128xf32> to vector<1x1000x128xf32>
    tpu.vector_store %arg3[%swap3A, %swap3A_6, %swap3A_7], %swap3A_10 {strides = array<i32>} : memref<2x1000x128xf32, #tpu.memory_space<vmem>>, vector<1x1000x128xf32>,
    %slice3A_11 = vector.extract_strided_slice %dot_general3A_5 {offsets = [0, 128], sizes = [1000, 128], strides = [1, 1]} : vector<1000x256xf32> to vector<1000x128xf32>
    %swap3A_12 = arith.constant 1 : index
    %swap3A_13 = arith.constant 0 : index
    %swap3A_14 = arith.constant 0 : index
    %swap3A_15 = vector.load %arg3[%swap3A_12, %swap3A_13, %swap3A_14] : memref<2x1000x128xf32, #tpu.memory_space<vmem>>, vector<1x1000x128xf32>
    %swap3A_16 = vector.shape_cast %swap3A_15 : vector<1x1000x128xf32> to vector<1000x128xf32>
    %swap3A_17 = vector.shape_cast %slice3A_11 : vector<1000x128xf32> to vector<1x1000x128xf32>
    tpu.vector_store %arg3[%swap3A_12, %swap3A_13, %swap3A_14], %swap3A_17 {strides = array<i32>} : memref<2x1000x128xf32, #tpu.memory_space<vmem>>, vector<1x1000x128xf32>,
    return
  }
  func.func @transform_0(%arg0: i32) -> (i32, i32) {
    %c0_i32 = arith.constant 0 : i32
    %c0_i32_0 = arith.constant 0 : i32
    return %arg0, %c0_i32 : i32, i32
  }
  func.func @transform_1(%arg0: i32) -> (i32, i32) {
    %c0_i32 = arith.constant 0 : i32
    %c0_i32_0 = arith.constant 0 : i32
    %c0_i32_1 = arith.constant 0 : i32
    return %c0_i32, %c0_i32_0 : i32, i32
  }
  func.func @transform_2(%arg0: i32) -> (i32, i32, i32) {
    %c0_i32 = arith.constant 0 : i32
    %c0_i32_0 = arith.constant 0 : i32
    %c0_i32_1 = arith.constant 0 : i32
    return %c0_i32, %arg0, %c0_i32_0 : i32, i32, i32
  }
}

module attributes {stable_mosaic.version = 14 : i64} {
  func.func @body(%arg0: i32, %arg1: memref<2x1000x128xf32, #tpu.memory_space<vmem>>, %arg2: memref<2x1000x1xf32, #tpu.memory_space<vmem>>, %arg3: memref<2x1000x128xf32, #tpu.memory_space<vmem>>) attributes {dimension_semantics = [#tpu.dimension_semantics<arbitrary>], iteration_bounds = array<i64: 10>, scalar_prefetch = 0 : i64, scratch_operands = 0 : i64, tpu.core_type = #tpu.core_type<tc>, window_params = [{transform_indices = @transform_0, window_bounds = array<i64: 2, 1000, 128>}, {transform_indices = @transform_1, window_bounds = array<i64: 2, 1000, 1>}, {transform_indices = @transform_2, window_bounds = array<i64: 2, 1000, 128>}]} {
    %get3A = arith.constant 0 : index
    %get3A_0 = arith.constant 0 : index
    %get3A_1 = arith.constant 0 : index
    %get3A_2 = vector.load %arg2[%get3A, %get3A_0, %get3A_1] : memref<2x1000x1xf32, #tpu.memory_space<vmem>>, vector<1x1000x1xf32>
    %get3A_3 = vector.shape_cast %get3A_2 : vector<1x1000x1xf32> to vector<1000x1xf32>
    %get3A_4 = arith.constant 1 : index
    %get3A_5 = arith.constant 0 : index
    %get3A_6 = arith.constant 0 : index
    %get3A_7 = vector.load %arg2[%get3A_4, %get3A_5, %get3A_6] : memref<2x1000x1xf32, #tpu.memory_space<vmem>>, vector<1x1000x1xf32>
    %get3A_8 = vector.shape_cast %get3A_7 : vector<1x1000x1xf32> to vector<1000x1xf32>
    %add3A = arith.addf %get3A_3, %get3A_8 : vector<1000x1xf32>
    %add3A_9 = arith.constant 1.000000e+00 : f32
    %add3A_10 = vector.broadcast %add3A_9 : f32 to vector<1000x1xf32>
    %add3A_11 = arith.addf %add3A, %add3A_10 : vector<1000x1xf32>
    %rsqrt3A = math.rsqrt %add3A_11 : vector<1000x1xf32>
    %get3A_12 = arith.constant 0 : index
    %get3A_13 = arith.constant 0 : index
    %get3A_14 = arith.constant 0 : index
    %get3A_15 = vector.load %arg1[%get3A_12, %get3A_13, %get3A_14] : memref<2x1000x128xf32, #tpu.memory_space<vmem>>, vector<2x1000x128xf32>
    %broadcast_in_dim3A = vector.shape_cast %rsqrt3A : vector<1000x1xf32> to vector<1x1000x1xf32>
    %mul3A = vector.broadcast %broadcast_in_dim3A : vector<1x1000x1xf32> to vector<2x1000x128xf32>
    %mul3A_16 = arith.mulf %get3A_15, %mul3A : vector<2x1000x128xf32>
    %swap3A = arith.constant 0 : index
    %swap3A_17 = arith.constant 0 : index
    %swap3A_18 = arith.constant 0 : index
    %swap3A_19 = vector.load %arg3[%swap3A, %swap3A_17, %swap3A_18] : memref<2x1000x128xf32, #tpu.memory_space<vmem>>, vector<2x1000x128xf32>
    tpu.vector_store %arg3[%swap3A, %swap3A_17, %swap3A_18], %mul3A_16 {strides = array<i32>} : memref<2x1000x128xf32, #tpu.memory_space<vmem>>, vector<2x1000x128xf32>,
    return
  }
  func.func @transform_0(%arg0: i32) -> (i32, i32, i32) {
    %c0_i32 = arith.constant 0 : i32
    %c0_i32_0 = arith.constant 0 : i32
    %c0_i32_1 = arith.constant 0 : i32
    return %c0_i32, %arg0, %c0_i32_0 : i32, i32, i32
  }
  func.func @transform_1(%arg0: i32) -> (i32, i32, i32) {
    %c0_i32 = arith.constant 0 : i32
    %c0_i32_0 = arith.constant 0 : i32
    %c0_i32_1 = arith.constant 0 : i32
    return %c0_i32, %arg0, %c0_i32_0 : i32, i32, i32
  }
  func.func @transform_2(%arg0: i32) -> (i32, i32, i32) {
    %c0_i32 = arith.constant 0 : i32
    %c0_i32_0 = arith.constant 0 : i32
    %c0_i32_1 = arith.constant 0 : i32
    return %c0_i32, %arg0, %c0_i32_0 : i32, i32, i32
  }
}

module attributes {stable_mosaic.version = 14 : i64} {
  func.func @body(%arg0: i32, %arg1: memref<2x1000x128xf32, #tpu.memory_space<vmem>>, %arg2: memref<2x1000x128xf32, #tpu.memory_space<vmem>>, %arg3: memref<2x1000x1xf32, #tpu.memory_space<vmem>>, %arg4: memref<1x256xf32, #tpu.memory_space<vmem>>, %arg5: memref<1000x256xf32, #tpu.memory_space<vmem>>) attributes {dimension_semantics = [#tpu.dimension_semantics<arbitrary>], iteration_bounds = array<i64: 10>, scalar_prefetch = 0 : i64, scratch_operands = 0 : i64, tpu.core_type = #tpu.core_type<tc>, window_params = [{transform_indices = @transform_0, window_bounds = array<i64: 2, 1000, 128>}, {transform_indices = @transform_1, window_bounds = array<i64: 2, 1000, 128>}, {transform_indices = @transform_2, window_bounds = array<i64: 2, 1000, 1>}, {pipeline_mode = #tpu.pipeline_mode<synchronous>, transform_indices = @transform_3, window_bounds = array<i64: 1, 256>}, {transform_indices = @transform_4, window_bounds = array<i64: 1000, 256>}]} {
    %get3A = arith.constant 0 : index
    %get3A_0 = arith.constant 0 : index
    %get3A_1 = arith.constant 0 : index
    %get3A_2 = vector.load %arg3[%get3A, %get3A_0, %get3A_1] : memref<2x1000x1xf32, #tpu.memory_space<vmem>>, vector<1x1000x1xf32>
    %get3A_3 = vector.shape_cast %get3A_2 : vector<1x1000x1xf32> to vector<1000x1xf32>
    %get3A_4 = arith.constant 1 : index
    %get3A_5 = arith.constant 0 : index
    %get3A_6 = arith.constant 0 : index
    %get3A_7 = vector.load %arg3[%get3A_4, %get3A_5, %get3A_6] : memref<2x1000x1xf32, #tpu.memory_space<vmem>>, vector<1x1000x1xf32>
    %get3A_8 = vector.shape_cast %get3A_7 : vector<1x1000x1xf32> to vector<1000x1xf32>
    %add3A = arith.addf %get3A_3, %get3A_8 : vector<1000x1xf32>
    %add3A_9 = arith.constant 1.000000e+00 : f32
    %add3A_10 = vector.broadcast %add3A_9 : f32 to vector<1000x1xf32>
    %add3A_11 = arith.addf %add3A, %add3A_10 : vector<1000x1xf32>
    %rsqrt3A = math.rsqrt %add3A_11 : vector<1000x1xf32>
    %get3A_12 = arith.constant 0 : index
    %get3A_13 = arith.constant 0 : index
    %get3A_14 = arith.constant 0 : index
    %get3A_15 = vector.load %arg2[%get3A_12, %get3A_13, %get3A_14] : memref<2x1000x128xf32, #tpu.memory_space<vmem>>, vector<1x1000x128xf32>
    %get3A_16 = vector.shape_cast %get3A_15 : vector<1x1000x128xf32> to vector<1000x128xf32>
    %get3A_17 = arith.constant 1 : index
    %get3A_18 = arith.constant 0 : index
    %get3A_19 = arith.constant 0 : index
    %get3A_20 = vector.load %arg2[%get3A_17, %get3A_18, %get3A_19] : memref<2x1000x128xf32, #tpu.memory_space<vmem>>, vector<1x1000x128xf32>
    %get3A_21 = vector.shape_cast %get3A_20 : vector<1x1000x128xf32> to vector<1000x128xf32>
    %concatenate3A = tpu.concatenate %get3A_16, %get3A_21 in 1 : vector<1000x128xf32>, vector<1000x128xf32> -> vector<1000x256xf32>
    %get3A_22 = arith.constant 0 : index
    %get3A_23 = arith.constant 0 : index
    %get3A_24 = arith.constant 0 : index
    %get3A_25 = vector.load %arg1[%get3A_22, %get3A_23, %get3A_24] : memref<2x1000x128xf32, #tpu.memory_space<vmem>>, vector<1x1000x128xf32>
    %get3A_26 = vector.shape_cast %get3A_25 : vector<1x1000x128xf32> to vector<1000x128xf32>
    %get3A_27 = arith.constant 1 : index
    %get3A_28 = arith.constant 0 : index
    %get3A_29 = arith.constant 0 : index
    %get3A_30 = vector.load %arg1[%get3A_27, %get3A_28, %get3A_29] : memref<2x1000x128xf32, #tpu.memory_space<vmem>>, vector<1x1000x128xf32>
    %get3A_31 = vector.shape_cast %get3A_30 : vector<1x1000x128xf32> to vector<1000x128xf32>
    %concatenate3A_32 = tpu.concatenate %get3A_26, %get3A_31 in 1 : vector<1000x128xf32>, vector<1000x128xf32> -> vector<1000x256xf32>
    %add3A_33 = arith.addf %concatenate3A_32, %concatenate3A : vector<1000x256xf32>
    %mul3A = vector.broadcast %rsqrt3A : vector<1000x1xf32> to vector<1000x256xf32>
    %mul3A_34 = arith.mulf %mul3A, %add3A_33 : vector<1000x256xf32>
    %get3A_35 = arith.constant 0 : index
    %get3A_36 = arith.constant 0 : index
    %get3A_37 = vector.load %arg4[%get3A_35, %get3A_36] : memref<1x256xf32, #tpu.memory_space<vmem>>, vector<1x256xf32>
    %add3A_38 = vector.broadcast %get3A_37 : vector<1x256xf32> to vector<1000x256xf32>
    %add3A_39 = arith.addf %mul3A_34, %add3A_38 : vector<1000x256xf32>
    %max3A = arith.constant 0.000000e+00 : f32
    %max3A_40 = vector.broadcast %max3A : f32 to vector<1000x256xf32>
    %max3A_41 = arith.maximumf %add3A_39, %max3A_40 : vector<1000x256xf32>
    %swap3A = arith.constant 0 : index
    %swap3A_42 = arith.constant 0 : index
    %swap3A_43 = vector.load %arg5[%swap3A, %swap3A_42] : memref<1000x256xf32, #tpu.memory_space<vmem>>, vector<1000x256xf32>
    tpu.vector_store %arg5[%swap3A, %swap3A_42], %max3A_41 {strides = array<i32>} : memref<1000x256xf32, #tpu.memory_space<vmem>>, vector<1000x256xf32>,
    return
  }
  func.func @transform_0(%arg0: i32) -> (i32, i32, i32) {
    %c0_i32 = arith.constant 0 : i32
    %c0_i32_0 = arith.constant 0 : i32
    %c0_i32_1 = arith.constant 0 : i32
    return %c0_i32, %arg0, %c0_i32_0 : i32, i32, i32
  }
  func.func @transform_1(%arg0: i32) -> (i32, i32, i32) {
    %c0_i32 = arith.constant 0 : i32
    %c0_i32_0 = arith.constant 0 : i32
    %c0_i32_1 = arith.constant 0 : i32
    return %c0_i32, %arg0, %c0_i32_0 : i32, i32, i32
  }
  func.func @transform_2(%arg0: i32) -> (i32, i32, i32) {
    %c0_i32 = arith.constant 0 : i32
    %c0_i32_0 = arith.constant 0 : i32
    %c0_i32_1 = arith.constant 0 : i32
    return %c0_i32, %arg0, %c0_i32_0 : i32, i32, i32
  }
  func.func @transform_3(%arg0: i32) -> (i32, i32) {
    %c0_i32 = arith.constant 0 : i32
    %c0_i32_0 = arith.constant 0 : i32
    %c0_i32_1 = arith.constant 0 : i32
    return %c0_i32, %c0_i32_0 : i32, i32
  }
  func.func @transform_4(%arg0: i32) -> (i32, i32) {
    %c0_i32 = arith.constant 0 : i32
    %c0_i32_0 = arith.constant 0 : i32
    return %arg0, %c0_i32 : i32, i32
  }
}

</mosaic_0001>

<sc_bundles>
// kernel: kernel.10.cloned.1.call-start
scs
__scs_entry_jumppad:
0x0: {  	(pc) =	sbr.rel $0x88, $3  }
0x1: {  	(tag) =	ssettag $0x0;
	lr =	simm.s32 $0x1  }
0x2: {  	[smem:$0x3F9D] =	sst lr;
	_ =	strace $0xD0000000  }
0x3: {  	_ = 	snop  }
0x4: {  	_ = 	snop  }
0x5: {  	_ = 	snop  }
0x6: {  	_ = 	snop  }
0x7: {  	_ = 	snop  }
__scs_overlays_trampoline_lowered:
0x8: {  	[smem:$0x3FAC] =	sst s0  }
0x9: {  	[smem:$0x3FAD] =	sst s1  }
0xa: {  	[smem:$0x3FAE] =	sst s2  }
0xb: {  	[smem:$0x3FAF] =	sst s3  }
0xc: {  	[smem:$0x3FB0] =	sst s4  }
0xd: {  	[smem:$0x3FB1] =	sst s5  }
0xe: {  	[smem:$0x3FB2] =	sst s6  }
0xf: {  	[smem:$0x3FB3] =	sst s7  }
0x10: {  	[smem:$0x3FB4] =	sst s8  }
0x11: {  	[smem:$0x3FB5] =	sst s9;
	s0 =	simm.s32 @!p0 $0x0  }
0x12: {  	s1 =	sld [smem:$0x3F9B];
	s0 =	simm.s32 @p0 $0x1  }
0x13: {  	[smem:$0x3FB6] =	sst s0;
	s0 =	simm.s32 @!p1 $0x0  }
0x14: {  	s2 =	sld [smem:$0x3F9A];
	s0 =	simm.s32 @p1 $0x1  }
0x15: {  	[smem:$0x3FB7] =	sst s0;
	s0 =	simm.s32 @!p2 $0x0  }
0x16: {  	s3 =	sld [smem:$0x3FDB];
	s0 =	simm.s32 @p2 $0x1  }
0x17: {  	s4 =	simm.s32 $0x1BF5;
	[smem:$0x3FB9] =	sst s0  }
0x18: {  	s0 =	sld [smem:$0x3F9C];
	_ =	swait.ge [sflag:s4], $0x0  }
0x19: {  	s7 =	sld [smem:$0x3F9D]  }
0x1a: {  	s8 =	sadd.s32 $0xFFFFE003, lr  }
0x1b: {  	s9 =	sadd.s32 $0xFFFFFEF7, lr;
	s5 =	simm.s32 $0xFFFFFFFF;
	p2 =	slt.u32 s8, $0xFFFFF086  }
0x1c: {  	p1 =	slt.u32 s9, $0xF7A;
	s5 =	simm.s32 @!p2 $0x0  }
0x1d: {  	s5 =	simm.s32 @p1 $0x1;
	p0 =	seq.s32 s7, s2  }
0x1e: {  	s7 =	smul.u32 @!p0 $0xF7A, s2;
	p2 =	seq.s32 @!p0 s5, $0x0  }
0x1f: {  	s9 =	smul.u32 $0xF7A, s1;
	s8 =	simm.s32 @!p0 $0x1BF5;
	p2 =	por !p2, p0  }
0x20: {  	[sflag:s8] =	ssyncset.s32 @!p0 $0xFFFFF086;
	s6 =	sadd.s32 @!p0 s3, s7;
	s7 =	simm.s32 @!p0 $0x108  }
0x21: {  	s3 =	sadd.s32 s3, s9;
	s6 =	sadd.s32 @!p0 $0x88, s6;
	s7 =	simm.s32 @p2 $0x1082  }
0x22: {  	[simem:s7], [sflag:s8] =	dma.local @!p0 [hbm:s6], $0xF7A  }
0x23: {  	s9 =	sor.u32 $0xD0000000, s2;
	s6 =	simm.s32 $0x108;
	_ =	swait.ge @!p0 [sflag:s8], $0x0  }
0x24: {  	s3 =	sadd.s32 $0x88, s3;
	s6 =	simm.s32 @!p1 $0x1082;
	[sflag:s4] =	ssyncset.s32 $0xFFFFF086  }
0x25: {  	[simem:s6], [sflag:s4] =	dma.local [hbm:s3], $0xF7A  }
0x26: {  	[smem:$0x3F9D] =	sst s1;
	(tag) =	ssettag s2;
	_ =	strace s9  }
0x27: {  	s1 =	sld [smem:$0x3FAD]  }
0x28: {  	s2 =	sld [smem:$0x3FAE]  }
0x29: {  	s4 =	sld [smem:$0x3FB0]  }
0x2a: {  	p0 =	seq.s32 s5, $0x0;
	s5 =	sld [smem:$0x3FB1]  }
0x2b: {  	s6 =	sld [smem:$0x3FB2]  }
0x2c: {  	s7 =	sld [smem:$0x3FB3]  }
0x2d: {  	s3 =	simm.s32 $0x108;
	s8 =	sld [smem:$0x3FB4]  }
0x2e: {  	s3 =	simm.s32 @!p0 $0x1082;
	s9 =	sld [smem:$0x3FB5]  }
0x2f: {  	lr =	sadd.s32 s0, s3;
	s0 =	sld [smem:$0x3FAC]  }
0x30: {  	s3 =	sld [smem:$0x3FAF]  }
0x31: {  	[smem:$0x3FB8] =	sst s10  }
0x32: {  	s10 =	sld [smem:$0x3FB6];
	_ =	sdelay $0x3  }
0x33: {  	p0 =	seq.s32 s10, $0x1;
	s10 =	sld [smem:$0x3FB8];
	_ =	sdelay $0x3  }
0x34: {  	[smem:$0x3FB8] =	sst s10  }
0x35: {  	s10 =	sld [smem:$0x3FB7];
	_ =	sdelay $0x3  }
0x36: {  	p1 =	seq.s32 s10, $0x1;
	s10 =	sld [smem:$0x3FB8];
	_ =	sdelay $0x3  }
0x37: {  	[smem:$0x3FB8] =	sst s10  }
0x38: {  	s10 =	sld [smem:$0x3FB9]  }
0x39: {  	_ = 	snop;
	(pc) =	sbr.ind lr, $3  }
0x3a: {  	_ = 	snop  }
0x3b: {  	_ = 	snop  }
0x3c: {  	p2 =	seq.s32 s10, $0x1;
	s10 =	sld [smem:$0x3FB8]  }
0x3d: {  	_ =	shalt  }
0x3e: {  	_ =	shalt  }
0x3f: {  	_ =	shalt  }
0x40: {  	_ =	shalt  }
0x41: {  	_ =	shalt  }
0x42: {  	_ =	shalt  }
0x43: {  	_ =	shalt  }
0x44: {  	_ =	shalt  }
0x45: {  	_ =	shalt  }
0x46: {  	_ =	shalt  }
0x47: {  	_ =	shalt  }
0x48: {  	_ =	shalt  }
0x49: {  	_ =	shalt  }
0x4a: {  	_ =	shalt  }
0x4b: {  	_ =	shalt  }
0x4c: {  	_ =	shalt  }
0x4d: {  	_ =	shalt  }
0x4e: {  	_ =	shalt  }
0x4f: {  	_ =	shalt  }
0x50: {  	_ =	shalt  }
0x51: {  	_ =	shalt  }
0x52: {  	_ =	shalt  }
0x53: {  	_ =	shalt  }
0x54: {  	_ =	shalt  }
0x55: {  	_ =	shalt  }
0x56: {  	_ =	shalt  }
0x57: {  	_ =	shalt  }
0x58: {  	_ =	shalt  }
0x59: {  	_ =	shalt  }
0x5a: {  	_ =	shalt  }
0x5b: {  	_ =	shalt  }
0x5c: {  	_ =	shalt  }
0x5d: {  	_ =	shalt  }
0x5e: {  	_ =	shalt  }
0x5f: {  	_ =	shalt  }
0x60: {  	_ =	shalt  }
0x61: {  	_ =	shalt  }
0x62: {  	_ =	shalt  }
0x63: {  	_ =	shalt  }
0x64: {  	_ =	shalt  }
0x65: {  	_ =	shalt  }
0x66: {  	_ =	shalt  }
0x67: {  	_ =	shalt  }
0x68: {  	_ =	shalt  }
0x69: {  	_ =	shalt  }
0x6a: {  	_ =	shalt  }
0x6b: {  	_ =	shalt  }
0x6c: {  	_ =	shalt  }
0x6d: {  	_ =	shalt  }
0x6e: {  	_ =	shalt  }
0x6f: {  	_ =	shalt  }
0x70: {  	_ =	shalt  }
0x71: {  	_ =	shalt  }
0x72: {  	_ =	shalt  }
0x73: {  	_ =	shalt  }
0x74: {  	_ =	shalt  }
0x75: {  	_ =	shalt  }
0x76: {  	_ =	shalt  }
0x77: {  	_ =	shalt  }
0x78: {  	_ =	shalt  }
0x79: {  	_ =	shalt  }
0x7a: {  	_ =	shalt  }
0x7b: {  	_ =	shalt  }
0x7c: {  	_ =	shalt  }
0x7d: {  	_ =	shalt  }
0x7e: {  	_ =	shalt  }
0x7f: {  	_ =	shalt  }
0x80: {  	_ =	shalt  }
0x81: {  	_ =	shalt  }
0x82: {  	_ =	shalt  }
0x83: {  	_ =	shalt  }
0x84: {  	_ =	shalt  }
0x85: {  	_ =	shalt  }
0x86: {  	_ =	shalt  }
0x87: {  	_ =	shalt  }
.Lfunc_end0:
.L_simem_size_0:
called_computation.1_lowered:
.L_overlay_start_0:
0x88: {  	s2 =	sld [smem:$0x3FD9]  }
0x89: {  	s3 =	sld [smem:$0x3FFE];
	_ =	sdelay $0x1  }
0x8a: {  	s1 =	srdreg.scid  }
0x8b: {  	s0 =	sand.u32 $0x1, s1  }
0x8c: {  	s17 =	sshll.u32 s0, $0xA;
	s2 =	sadd.s32 s3, s2  }
0x8d: {  	s2 =	sadd.s32 s2, s17  }
0x8e: {  	[smem:$0x3FC4] =	sst s2  }
0x8f: {  	_ = 	snop  }
0x90: {  	s2 =	sld [smem:$0x3FD0];
	(tm) =	ssettm $0x1  }
0x91: {  	s18 =	sld [smem:$0x3FFB];
	_ =	sdelay $0x3  }
0x92: {  	_ =	strace s18  }
0x93: {  	s3 =	sld [smem:$0x3FFC];
	_ =	sdelay $0x3  }
0x94: {  	_ =	strace s3  }
0x95: {  	s3 =	sld [smem:$0x3FFD];
	_ =	sdelay $0x3  }
0x96: {  	_ =	strace s3  }
0x97: {  	_ =	strace $0x8FFFFFFF  }
0x98: {  	s19 =	sld [smem:$0x3FDB];
	_ =	sdelay $0x1  }
0x99: {  	s4 =	simm.s32 $_scs_section_size  }
0x9a: {  	s5 =	simm.s32 $_size__tile_overlayer_lowered;
	s6 =	simm.s32 $_tile_overlayer_lowered  }
0x9b: {  	s22 =	simm.s32 $0x1BFF;
	s21 =	sshll.u32 s6, $0x1;
	s3 =	sadd.s32 s4, s19  }
0x9c: {  	s7 =	simm.s32 $0x0;
	s20 =	sshll.u32 s5, $0x1;
	s5 =	sadd.s32 s21, s3  }
0x9d: {  	[timem:s7], [sflag:s22] =	dma.local [hbm:s5], s20  }
0x9e: {  	_ =	swait.ge [sflag:s22], s20  }
0x9f: {  	s4 =	ssub.s32 $0x0, s20;
	[sflag:s22] =	ssyncset.done $0x0  }
0xa0: {  	[sflag:s22] =	ssyncadd.s32 s4;
	_ =	sdelay $0x1  }
0xa1: {  	s23 =	simm.s32 $0x1B8B  }
0xa2: {  	_ =	swait.ge [sflag:s23], $0x1  }
0xa3: {  	[sflag:s23] =	ssyncset.done $0x0  }
0xa4: {  	s25 =	simm.s32 $0x1B8E;
	s24 =	sld [smem:$0x3FFE];
	[sflag:s23] =	ssyncadd.s32 $0xFFFFFFFF  }
0xa5: {  	s26 =	simm.s32 $execute0_lowered;
	[smem:$0x3FD2] =	sst s25  }
0xa6: {  	s5 =	sshll.u32 s26, $0x1;
	_ =	strace $0x80000049;
	[dreg:$0x1] =	wrdreg $0xFFFFFFFF  }
0xa7: {  	s28 =	simm.s32 $_size_execute0_lowered;
	s3 =	sadd.s32 s3, s5;
	[dreg:$0x0] =	wrdreg $0x0  }
0xa8: {  	s5 =	sshll.u32 s28, $0x1;
	[dreg:$0x2] =	wrdreg s3  }
0xa9: {  	[dreg:$0x3] =	wrdreg s5  }
0xaa: {  	[dreg:$0x4] =	wrdreg $0xC0  }
0xab: {  	_ =	task [dreg:s7], $0x5FFFF  }
0xac: {  	[dreg:$0x1] =	wrdreg $0xFFFFFFFF  }
0xad: {  	[dreg:$0x0] =	wrdreg $0x60  }
0xae: {  	[dreg:$0x2] =	wrdreg s24  }
0xaf: {  	[dreg:$0x3] =	wrdreg s2  }
0xb0: {  	[dreg:$0x4] =	wrdreg $0xA9000  }
0xb1: {  	[dreg:$0x5] =	wrdreg $0x9  }
0xb2: {  	_ =	task.clear_ibuf [dreg:s7], $0x6FFFF;
	_ =	strace $0x90000049  }
0xb3: {  	s29 =	simm.s32 $0x9;
	_ =	strace $0x8000004B  }
0xb4: {  	_ =	swait.ge [sflag:s29], $0x1  }
0xb5: {  	[sflag:s29] =	ssyncadd.s32 $0xFFFFFFFF  }
0xb6: {  	_ =	strace $0x9000004B  }
0xb7: {  	_ =	sfence  }
0xb8: {  	s30 =	sld [smem:$0x0];
	_ =	sdelay $0x2  }
0xb9: {  	s31 =	sshll.u32 s1, $0xD;
	s1 =	sshrl.u32 s1, $0x2  }
0xba: {  	s3 =	sand.u32 $0x4000, s31;
	s1 =	sadd.s32 s1, s30  }
0xbb: {  	s0 =	sor.u32 s3, s0;
	s1 =	sshll.u32 s1, $0x11  }
0xbc: {  	s0 =	sor.u32 s1, s0  }
0xbd: {  	s0 =	sadd.s32 $0x8F2B, s0  }
0xbe: {  	[sflag:s0] =	ssyncadd.remote.s32 $0x1  }
0xbf: {  	_ =	sfence.sel $0xFFFF  }
0xc0: {  	[dreg:$0x0] =	wrdreg $0xFFFFFFFF;
	(pc) =	sbr.abs _section_cstart, $3  }
0xc1: {  	[dreg:$0x1] =	wrdreg $0xFFFFFFFF  }
0xc2: {  	_ =	task.clear_ibuf [dreg:s7], $0x2FFFF;
	_ =	strace $0x9FFFFFFF  }
0xc3: {  	(tm) =	ssettm $0x7FFFFFFF  }
tec
execute0_lowered:
.L_overlay_start_1:
0x0: {  	(tag) =	ssettag $0x1  }
0x1: {  	s5 =	rddreg [dreg:$0x0]  }
0x2: {  	s11 =	rddreg [dreg:$0x1]  }
0x3: {  	s2 =	rddreg [dreg:$0x2];
	s1 =	stileid.u32  }
0x4: {  	s4 =	srdreg.scid;
	s3 =	simm.s32 $0x0;
	s18 =	simm.s32 $0x2900  }
0x5: {  	s19 =	simm.s32 $0x80;
	s20 =	simm.s32 $0x2800;
	s21 =	simm.s32 $0x6900  }
0x6: {  	s22 =	simm.s32 $0x2880;
	s23 =	simm.s32 $0x1;
	s6 =	smul.u32 $0x2800, s1  }
0x7: {  	s24 =	simm.s32 $0x3;
	s25 =	simm.s32 $0x2;
	s29 =	smul.u32 $0x14000, s1  }
0x8: {  	s26 =	simm.s32 $0x4;
	s28 =	simm.s32 $0x0;
	s10 =	smul.u32 $0x50000, s1  }
0x9: {  	s8 =	sand.u32 $0x1, s4;
	[smem:$0x7FF] =	sst s3;
	s17 =	smul.u32 $0x500, s1  }
0xa: {  	s16 =	sadd.s32 $0xC00, s5;
	s4 =	sadd.s32 $0x5B000, s5;
	s7 =	smul.u32 $0x140000, s8  }
0xb: {  	_ =	strace $0x8000004A;
	s30 =	ssub.s32 $0x2, s8;
	s31 =	smul.u32 $0x27100, s8  }
0xc: {  	s12 =	sshrl.u32 s6, $0x3;
	s13 =	sshrl.u32 s30, $0x1;
	s10 =	sshrl.u32 s10, $0x2  }
0xd: {  	s9 =	sadd.s32 s12, s5;
	s6 =	sadd.s32 s29, s7;
	s15 =	ssub.s32 s30, s13  }
0xe: {  	s11 =	sadd.s32 s11, s31;
	s12 =	sadd.s32 s16, s12;
	s16 =	sadd.s32 s17, s16  }
0xf: {  	s17 =	simm.s32 $0x5;
	s6 =	sshrl.u32 s6, $0x3;
	s13 =	sadd.s32 $0x10, s12  }
0x10: {  	s15 =	smax.u32 s15, $0x1;
	s14 =	sadd.s32 s6, s5;
	s5 =	sadd.s32 s10, s2  }
0x11: {  	s6 =	sadd.s32 $0x6000, s9;
	s7 =	sadd.s32 $0x4000, s5;
	s8 =	sadd.s32 $0x8000, s5  }
0x12: {  	s9 =	sadd.s32 $0xC000, s5;
	s10 =	sadd.s32 $0x10000, s5;
	s14 =	sadd.s32 $0x5B800, s14  }
.LBB2_1:
0x13: {  	[tilespmem:s3], [sflag:$0x5] =	stream.linear.gather [hbm4b:s6+s3], $0x2800, $0x38;
	[tilespmem:$0x1E900] =	vst v63  }
0x14: {  	_ =	swait.ge [sflag:s17], $0x2800  }
0x15: {  	[sflag:s17] =	ssyncset.done $0x0  }
0x16: {  	[sflag:s17] =	ssyncadd.s32 $0xFFFFD800  }
0x17: {  	[tilespmem:s18], [sflag:$0x5] =	stream.linear.gather [hbm4b:s4+s3], $0x4000, $0x38;
	[tilespmem:$0x1E900] =	vst v63  }
0x18: {  	_ =	swait.ge [sflag:s17], $0x4000  }
0x19: {  	[sflag:s17] =	ssyncset.done $0x0  }
0x1a: {  	[sflag:s17] =	ssyncadd.s32 $0xFFFFC000  }
0x1b: {  	[spmem:s5] =	stream.linear.scatter [tilespmem:s18], [sflag:$0x5], $0x4000, $0x38;
	[tilespmem:$0x1E900] =	vst v63  }
0x1c: {  	_ =	swait.ge [sflag:s17], $0x4000  }
0x1d: {  	[sflag:s17] =	ssyncset.done $0x0  }
0x1e: {  	[sflag:s17] =	ssyncadd.s32 $0xFFFFC000  }
0x1f: {  	[spmem:s7] =	stream.linear.scatter [tilespmem:s18], [sflag:$0x5], $0x4000, $0x38;
	[tilespmem:$0x1E900] =	vst v63  }
0x20: {  	_ =	swait.ge [sflag:s17], $0x4000  }
0x21: {  	[sflag:s17] =	ssyncset.done $0x0  }
0x22: {  	[sflag:s17] =	ssyncadd.s32 $0xFFFFC000  }
0x23: {  	[spmem:s8] =	stream.linear.scatter [tilespmem:s18], [sflag:$0x5], $0x4000, $0x38;
	[tilespmem:$0x1E900] =	vst v63  }
0x24: {  	_ =	swait.ge [sflag:s17], $0x4000  }
0x25: {  	[sflag:s17] =	ssyncset.done $0x0  }
0x26: {  	[sflag:s17] =	ssyncadd.s32 $0xFFFFC000  }
0x27: {  	[spmem:s9] =	stream.linear.scatter [tilespmem:s18], [sflag:$0x5], $0x4000, $0x38;
	[tilespmem:$0x1E900] =	vst v63  }
0x28: {  	_ =	swait.ge [sflag:s17], $0x4000  }
0x29: {  	[sflag:s17] =	ssyncset.done $0x0  }
0x2a: {  	[sflag:s17] =	ssyncadd.s32 $0xFFFFC000  }
0x2b: {  	[spmem:s10] =	stream.linear.scatter [tilespmem:s18], [sflag:$0x5], $0x4000, $0x38;
	[tilespmem:$0x1E900] =	vst v63  }
0x2c: {  	_ =	swait.ge [sflag:s17], $0x4000  }
0x2d: {  	[sflag:s17] =	ssyncset.done $0x0  }
0x2e: {  	[sflag:s17] =	ssyncadd.s32 $0xFFFFC000  }
0x2f: {  	[tilespmem:s18], [sflag:$0x1] =	stream.indirect.gather [hbm4b:s11+s19], $0x80, s3, s19, $0xb8;
	[tilespmem:$0x1E900] =	vst v63  }
0x30: {  	_ = 	snop  }
0x31: {  	[tilespmem:s20], [sflag:$0x1] =	stream.linear.gather [hbm4b:s12+s3], $0x80, $0x38;
	[tilespmem:$0x1E900] =	vst v63  }
0x32: {  	_ = 	snop  }
0x33: {  	[tilespmem:s21], [sflag:$0x2] =	stream.indirect.gather [hbm4b:s11+s19], $0x80, s19, s19, $0xb8;
	[tilespmem:$0x1E900] =	vst v63  }
0x34: {  	_ = 	snop  }
0x35: {  	[tilespmem:s22], [sflag:$0x2] =	stream.linear.gather [hbm4b:s13+s3], $0x80, $0x38;
	[tilespmem:$0x1E900] =	vst v63  }
0x36: {  	[bflag:$0x0] =	sbarrier.arrive $0xFFFF  }
0x37: {  	_ =	swait.ge [sflag:s23], $0x4000  }
0x38: {  	[sflag:s23] =	ssyncset.done $0x0  }
0x39: {  	[sflag:s23] =	ssyncadd.s32 $0xFFFFC000  }
0x3a: {  	_ =	swait.ge [sflag:s23], $0x80  }
0x3b: {  	[sflag:s23] =	ssyncset.done $0x0  }
0x3c: {  	[sflag:s23] =	ssyncadd.s32 $0xFFFFFF80  }
0x3d: {  	[spmem:s2] =	stream.indirect.scatter.add.f32 [tilespmem:s18], [sflag:$0x3], $0x80, s20, s19, $0xb8;
	[tilespmem:$0x1E900] =	vst v63  }
0x3e: {  	_ =	swait.ge [sflag:s24], $0x4000  }
0x3f: {  	[sflag:s24] =	ssyncset.done $0x0  }
0x40: {  	s29 =	simm.s32 $0x100;
	s30 =	sadd.s32 $0xFFFFFB20, s16;
	[sflag:s24] =	ssyncadd.s32 $0xFFFFC000  }
0x41: {  	[tilespmem:s18], [sflag:$0x1] =	stream.indirect.gather [hbm4b:s11+s19], $0x80, s29, s19, $0xb8;
	[tilespmem:$0x1E900] =	vst v63  }
0x42: {  	s29 =	sadd.s32 $0x500, s30  }
0x43: {  	[tilespmem:s20], [sflag:$0x1] =	stream.linear.gather [hbm4b:s29+s3], $0x80, $0x38;
	[tilespmem:$0x1E900] =	vst v63  }
0x44: {  	_ =	swait.ge [sflag:s25], $0x4000  }
0x45: {  	[sflag:s25] =	ssyncset.done $0x0  }
0x46: {  	[sflag:s25] =	ssyncadd.s32 $0xFFFFC000  }
0x47: {  	_ =	swait.ge [sflag:s25], $0x80  }
0x48: {  	[sflag:s25] =	ssyncset.done $0x0  }
0x49: {  	[sflag:s25] =	ssyncadd.s32 $0xFFFFFF80  }
0x4a: {  	[spmem:s2] =	stream.indirect.scatter.add.f32 [tilespmem:s21], [sflag:$0x4], $0x80, s22, s19, $0xb8;
	[tilespmem:$0x1E900] =	vst v63  }
0x4b: {  	_ =	swait.ge [sflag:s26], $0x4000  }
0x4c: {  	[sflag:s26] =	ssyncset.done $0x0  }
0x4d: {  	s29 =	simm.s32 $0x180;
	[sflag:s26] =	ssyncadd.s32 $0xFFFFC000  }
0x4e: {  	[tilespmem:s21], [sflag:$0x2] =	stream.indirect.gather [hbm4b:s11+s19], $0x80, s29, s19, $0xb8;
	[tilespmem:$0x1E900] =	vst v63  }
0x4f: {  	s31 =	sadd.s32 $0x510, s30;
	s30 =	simm.s32 $0x200;
	s29 =	simm.s32 $0xFFFFFB40  }
.LBB2_2:
0x50: {  	[tilespmem:s22], [sflag:$0x2] =	stream.linear.gather [hbm4b:s31+s3], $0x80, $0x38;
	[tilespmem:$0x1E900] =	vst v63  }
0x51: {  	s31 =	smov.u32 s29  }
0x52: {  	p0 =	sne.s32 s29, $0xFFFFFFE0;
	s29 =	sadd.s32 $0x20, s29;
	_ =	swait.ge [sflag:s23], $0x4000  }
0x53: {  	[sflag:s23] =	ssyncset.done $0x0  }
0x54: {  	[sflag:s23] =	ssyncadd.s32 $0xFFFFC000  }
0x55: {  	_ =	swait.ge [sflag:s23], $0x80  }
0x56: {  	[sflag:s23] =	ssyncset.done $0x0  }
0x57: {  	[sflag:s23] =	ssyncadd.s32 $0xFFFFFF80  }
0x58: {  	[spmem:s2] =	stream.indirect.scatter.add.f32 [tilespmem:s18], [sflag:$0x3], $0x80, s20, s19, $0xb8;
	[tilespmem:$0x1E900] =	vst v63  }
0x59: {  	_ =	swait.ge [sflag:s24], $0x4000  }
0x5a: {  	[sflag:s24] =	ssyncset.done $0x0  }
0x5b: {  	s31 =	sadd.s32 s31, s16;
	[sflag:s24] =	ssyncadd.s32 $0xFFFFC000  }
0x5c: {  	[tilespmem:s18], [sflag:$0x1] =	stream.indirect.gather [hbm4b:s11+s19], $0x80, s30, s19, $0xb8;
	[tilespmem:$0x1E900] =	vst v63  }
0x5d: {  	s0 =	sadd.s32 $0x500, s31  }
0x5e: {  	[tilespmem:s20], [sflag:$0x1] =	stream.linear.gather [hbm4b:s0+s3], $0x80, $0x38;
	[tilespmem:$0x1E900] =	vst v63  }
0x5f: {  	_ =	swait.ge [sflag:s25], $0x4000  }
0x60: {  	[sflag:s25] =	ssyncset.done $0x0  }
0x61: {  	[sflag:s25] =	ssyncadd.s32 $0xFFFFC000  }
0x62: {  	_ =	swait.ge [sflag:s25], $0x80  }
0x63: {  	[sflag:s25] =	ssyncset.done $0x0  }
0x64: {  	[sflag:s25] =	ssyncadd.s32 $0xFFFFFF80  }
0x65: {  	[spmem:s2] =	stream.indirect.scatter.add.f32 [tilespmem:s21], [sflag:$0x4], $0x80, s22, s19, $0xb8;
	[tilespmem:$0x1E900] =	vst v63  }
.Ltmp0:
0x66: {  	_ =	swait.ge [sflag:s26], $0x4000;
	(pc) =	sbr.rel @p0 .LBB2_2-.Ltmp0, $4  }
0x67: {  	[sflag:s26] =	ssyncset.done $0x0  }
0x68: {  	s0 =	sadd.s32 $0x80, s30;
	[sflag:s26] =	ssyncadd.s32 $0xFFFFC000  }
0x69: {  	[tilespmem:s21], [sflag:$0x2] =	stream.indirect.gather [hbm4b:s11+s19], $0x80, s0, s19, $0xb8;
	[tilespmem:$0x1E900] =	vst v63  }
0x6a: {  	s31 =	sadd.s32 $0x510, s31;
	s30 =	sadd.s32 $0x100, s30  }
0x6b: {  	[tilespmem:s22], [sflag:$0x2] =	stream.linear.gather [hbm4b:s31+s3], $0x80, $0x38;
	[tilespmem:$0x1E900] =	vst v63  }
0x6c: {  	_ =	swait.ge [sflag:s23], $0x4000  }
0x6d: {  	[sflag:s23] =	ssyncset.done $0x0  }
0x6e: {  	[sflag:s23] =	ssyncadd.s32 $0xFFFFC000  }
0x6f: {  	_ =	swait.ge [sflag:s23], $0x80  }
0x70: {  	[sflag:s23] =	ssyncset.done $0x0  }
0x71: {  	[sflag:s23] =	ssyncadd.s32 $0xFFFFFF80  }
0x72: {  	[spmem:s2] =	stream.indirect.scatter.add.f32 [tilespmem:s18], [sflag:$0x3], $0x80, s20, s19, $0xb8;
	[tilespmem:$0x1E900] =	vst v63  }
0x73: {  	_ =	swait.ge [sflag:s25], $0x4000  }
0x74: {  	[sflag:s25] =	ssyncset.done $0x0  }
0x75: {  	[sflag:s25] =	ssyncadd.s32 $0xFFFFC000  }
0x76: {  	_ =	swait.ge [sflag:s25], $0x80  }
0x77: {  	[sflag:s25] =	ssyncset.done $0x0  }
0x78: {  	[sflag:s25] =	ssyncadd.s32 $0xFFFFFF80  }
0x79: {  	[spmem:s2] =	stream.indirect.scatter.add.f32 [tilespmem:s21], [sflag:$0x4], $0x80, s22, s19, $0xb8;
	[tilespmem:$0x1E900] =	vst v63  }
0x7a: {  	_ =	swait.ge [sflag:s24], $0x4000  }
0x7b: {  	[sflag:s24] =	ssyncset.done $0x0  }
0x7c: {  	[sflag:s24] =	ssyncadd.s32 $0xFFFFC000  }
0x7d: {  	_ =	swait.ge [sflag:s26], $0x4000  }
0x7e: {  	s0 =	sshll.u32 s1, $0x6;
	s28 =	sadd.s32 $0x1, s28;
	[sflag:s26] =	ssyncset.done $0x0  }
0x7f: {  	s29 =	sshrl.u32 s5, $0x3;
	p0 =	sne.s32 s28, s15;
	[sflag:s26] =	ssyncadd.s32 $0xFFFFC000  }
.Ltmp1:
0x80: {  	s0 =	sor.u32 $0x1C05, s0;
	[bflag:$0x0] =	sbarrier.arrive $0xFFFF;
	(pc) =	sbr.rel @p0 .LBB2_1-.Ltmp1, $4  }
0x81: {  	[hbm:s14], [sflag:s0] =	dma.local [spmem:s29], $0x2800  }
0x82: {  	_ =	swait.ge [sflag:s17], $0x2800  }
0x83: {  	[sflag:s17] =	ssyncset.done $0x0  }
0x84: {  	[sflag:s17] =	ssyncadd.s32 $0xFFFFD800  }
0x85: {  	_ =	sfence.sel $0x180000  }
0x86: {  	[bflag:$0x0] =	sbarrier.arrive $0xFFFF  }
0x87: {  	_ =	strace $0x9000004A  }
0x88: {  	[bflag:$0x2] =	sbarrier.arrive $0xFFFF  }
0x89: {  	p0 =	sne.s32 s1, $0x0;
	s0 =	rddreg [dreg:$0x3]  }
0x8a: {  	s0 =	sadd.s32 @!p0 $0x100000, s0  }
0x8b: {  	[sflag:s0] =	ssyncadd.tile.s32 @!p0 $0x1;
	_ =	shalt  }
.Lfunc_end2:
_tile_overlayer_lowered:
.L_overlay_start_2:
0x8c: {  	(tag) =	ssettag $0x2  }
0x8d: {  	s0 =	rddreg [dreg:$0x0];
	s2 =	stileid.u32  }
0x8e: {  	s1 =	rddreg [dreg:$0x1];
	p0 =	sne.s32 s2, $0x0  }
0x8f: {  	s3 =	rddreg [dreg:$0x2];
	[bflag:$0x3] =	sbarrier.arrive $0xFFFF;
	s2 =	simm.s32 @!p0 $0x1C05  }
0x90: {  	[timem:s3], [sflag:s2] =	dma.local @!p0 [hbm:s0], s1  }
0x91: {  	s0 =	simm.s32 @!p0 $0x5  }
0x92: {  	_ =	swait.ge @!p0 [sflag:s0], s1  }
0x93: {  	s1 =	ssub.s32 @!p0 $0x0, s1;
	[sflag:s0] =	ssyncset.done @!p0 $0x0  }
0x94: {  	[sflag:s0] =	ssyncadd.s32 @!p0 s1  }
0x95: {  	[bflag:$0x3] =	sbarrier.arrive $0xFFFF  }
0x96: {  	_ =	shalt  }

// kernel: kernel.7.cloned.1.call-start
scs
__scs_entry_jumppad:
0x0: {  	(pc) =	sbr.rel $0x88, $3  }
0x1: {  	(tag) =	ssettag $0x0;
	lr =	simm.s32 $0x1  }
0x2: {  	[smem:$0x3F9D] =	sst lr;
	_ =	strace $0xD0000000  }
0x3: {  	_ = 	snop  }
0x4: {  	_ = 	snop  }
0x5: {  	_ = 	snop  }
0x6: {  	_ = 	snop  }
0x7: {  	_ = 	snop  }
__scs_overlays_trampoline_lowered:
0x8: {  	[smem:$0x3FAC] =	sst s0  }
0x9: {  	[smem:$0x3FAD] =	sst s1  }
0xa: {  	[smem:$0x3FAE] =	sst s2  }
0xb: {  	[smem:$0x3FAF] =	sst s3  }
0xc: {  	[smem:$0x3FB0] =	sst s4  }
0xd: {  	[smem:$0x3FB1] =	sst s5  }
0xe: {  	[smem:$0x3FB2] =	sst s6  }
0xf: {  	[smem:$0x3FB3] =	sst s7  }
0x10: {  	[smem:$0x3FB4] =	sst s8  }
0x11: {  	[smem:$0x3FB5] =	sst s9;
	s0 =	simm.s32 @!p0 $0x0  }
0x12: {  	s1 =	sld [smem:$0x3F9B];
	s0 =	simm.s32 @p0 $0x1  }
0x13: {  	[smem:$0x3FB6] =	sst s0;
	s0 =	simm.s32 @!p1 $0x0  }
0x14: {  	s2 =	sld [smem:$0x3F9A];
	s0 =	simm.s32 @p1 $0x1  }
0x15: {  	[smem:$0x3FB7] =	sst s0;
	s0 =	simm.s32 @!p2 $0x0  }
0x16: {  	s3 =	sld [smem:$0x3FDB];
	s0 =	simm.s32 @p2 $0x1  }
0x17: {  	s4 =	simm.s32 $0x1BF5;
	[smem:$0x3FB9] =	sst s0  }
0x18: {  	s0 =	sld [smem:$0x3F9C];
	_ =	swait.ge [sflag:s4], $0x0  }
0x19: {  	s7 =	sld [smem:$0x3F9D]  }
0x1a: {  	s8 =	sadd.s32 $0xFFFFE003, lr  }
0x1b: {  	s9 =	sadd.s32 $0xFFFFFEF7, lr;
	s5 =	simm.s32 $0xFFFFFFFF;
	p2 =	slt.u32 s8, $0xFFFFF086  }
0x1c: {  	p1 =	slt.u32 s9, $0xF7A;
	s5 =	simm.s32 @!p2 $0x0  }
0x1d: {  	s5 =	simm.s32 @p1 $0x1;
	p0 =	seq.s32 s7, s2  }
0x1e: {  	s7 =	smul.u32 @!p0 $0xF7A, s2;
	p2 =	seq.s32 @!p0 s5, $0x0  }
0x1f: {  	s9 =	smul.u32 $0xF7A, s1;
	s8 =	simm.s32 @!p0 $0x1BF5;
	p2 =	por !p2, p0  }
0x20: {  	[sflag:s8] =	ssyncset.s32 @!p0 $0xFFFFF086;
	s6 =	sadd.s32 @!p0 s3, s7;
	s7 =	simm.s32 @!p0 $0x108  }
0x21: {  	s3 =	sadd.s32 s3, s9;
	s6 =	sadd.s32 @!p0 $0x88, s6;
	s7 =	simm.s32 @p2 $0x1082  }
0x22: {  	[simem:s7], [sflag:s8] =	dma.local @!p0 [hbm:s6], $0xF7A  }
0x23: {  	s9 =	sor.u32 $0xD0000000, s2;
	s6 =	simm.s32 $0x108;
	_ =	swait.ge @!p0 [sflag:s8], $0x0  }
0x24: {  	s3 =	sadd.s32 $0x88, s3;
	s6 =	simm.s32 @!p1 $0x1082;
	[sflag:s4] =	ssyncset.s32 $0xFFFFF086  }
0x25: {  	[simem:s6], [sflag:s4] =	dma.local [hbm:s3], $0xF7A  }
0x26: {  	[smem:$0x3F9D] =	sst s1;
	(tag) =	ssettag s2;
	_ =	strace s9  }
0x27: {  	s1 =	sld [smem:$0x3FAD]  }
0x28: {  	s2 =	sld [smem:$0x3FAE]  }
0x29: {  	s4 =	sld [smem:$0x3FB0]  }
0x2a: {  	p0 =	seq.s32 s5, $0x0;
	s5 =	sld [smem:$0x3FB1]  }
0x2b: {  	s6 =	sld [smem:$0x3FB2]  }
0x2c: {  	s7 =	sld [smem:$0x3FB3]  }
0x2d: {  	s3 =	simm.s32 $0x108;
	s8 =	sld [smem:$0x3FB4]  }
0x2e: {  	s3 =	simm.s32 @!p0 $0x1082;
	s9 =	sld [smem:$0x3FB5]  }
0x2f: {  	lr =	sadd.s32 s0, s3;
	s0 =	sld [smem:$0x3FAC]  }
0x30: {  	s3 =	sld [smem:$0x3FAF]  }
0x31: {  	[smem:$0x3FB8] =	sst s10  }
0x32: {  	s10 =	sld [smem:$0x3FB6];
	_ =	sdelay $0x3  }
0x33: {  	p0 =	seq.s32 s10, $0x1;
	s10 =	sld [smem:$0x3FB8];
	_ =	sdelay $0x3  }
0x34: {  	[smem:$0x3FB8] =	sst s10  }
0x35: {  	s10 =	sld [smem:$0x3FB7];
	_ =	sdelay $0x3  }
0x36: {  	p1 =	seq.s32 s10, $0x1;
	s10 =	sld [smem:$0x3FB8];
	_ =	sdelay $0x3  }
0x37: {  	[smem:$0x3FB8] =	sst s10  }
0x38: {  	s10 =	sld [smem:$0x3FB9]  }
0x39: {  	_ = 	snop;
	(pc) =	sbr.ind lr, $3  }
0x3a: {  	_ = 	snop  }
0x3b: {  	_ = 	snop  }
0x3c: {  	p2 =	seq.s32 s10, $0x1;
	s10 =	sld [smem:$0x3FB8]  }
0x3d: {  	_ =	shalt  }
0x3e: {  	_ =	shalt  }
0x3f: {  	_ =	shalt  }
0x40: {  	_ =	shalt  }
0x41: {  	_ =	shalt  }
0x42: {  	_ =	shalt  }
0x43: {  	_ =	shalt  }
0x44: {  	_ =	shalt  }
0x45: {  	_ =	shalt  }
0x46: {  	_ =	shalt  }
0x47: {  	_ =	shalt  }
0x48: {  	_ =	shalt  }
0x49: {  	_ =	shalt  }
0x4a: {  	_ =	shalt  }
0x4b: {  	_ =	shalt  }
0x4c: {  	_ =	shalt  }
0x4d: {  	_ =	shalt  }
0x4e: {  	_ =	shalt  }
0x4f: {  	_ =	shalt  }
0x50: {  	_ =	shalt  }
0x51: {  	_ =	shalt  }
0x52: {  	_ =	shalt  }
0x53: {  	_ =	shalt  }
0x54: {  	_ =	shalt  }
0x55: {  	_ =	shalt  }
0x56: {  	_ =	shalt  }
0x57: {  	_ =	shalt  }
0x58: {  	_ =	shalt  }
0x59: {  	_ =	shalt  }
0x5a: {  	_ =	shalt  }
0x5b: {  	_ =	shalt  }
0x5c: {  	_ =	shalt  }
0x5d: {  	_ =	shalt  }
0x5e: {  	_ =	shalt  }
0x5f: {  	_ =	shalt  }
0x60: {  	_ =	shalt  }
0x61: {  	_ =	shalt  }
0x62: {  	_ =	shalt  }
0x63: {  	_ =	shalt  }
0x64: {  	_ =	shalt  }
0x65: {  	_ =	shalt  }
0x66: {  	_ =	shalt  }
0x67: {  	_ =	shalt  }
0x68: {  	_ =	shalt  }
0x69: {  	_ =	shalt  }
0x6a: {  	_ =	shalt  }
0x6b: {  	_ =	shalt  }
0x6c: {  	_ =	shalt  }
0x6d: {  	_ =	shalt  }
0x6e: {  	_ =	shalt  }
0x6f: {  	_ =	shalt  }
0x70: {  	_ =	shalt  }
0x71: {  	_ =	shalt  }
0x72: {  	_ =	shalt  }
0x73: {  	_ =	shalt  }
0x74: {  	_ =	shalt  }
0x75: {  	_ =	shalt  }
0x76: {  	_ =	shalt  }
0x77: {  	_ =	shalt  }
0x78: {  	_ =	shalt  }
0x79: {  	_ =	shalt  }
0x7a: {  	_ =	shalt  }
0x7b: {  	_ =	shalt  }
0x7c: {  	_ =	shalt  }
0x7d: {  	_ =	shalt  }
0x7e: {  	_ =	shalt  }
0x7f: {  	_ =	shalt  }
0x80: {  	_ =	shalt  }
0x81: {  	_ =	shalt  }
0x82: {  	_ =	shalt  }
0x83: {  	_ =	shalt  }
0x84: {  	_ =	shalt  }
0x85: {  	_ =	shalt  }
0x86: {  	_ =	shalt  }
0x87: {  	_ =	shalt  }
.Lfunc_end0:
.L_simem_size_0:
called_computation_lowered:
.L_overlay_start_0:
0x88: {  	s2 =	sld [smem:$0x3FD9]  }
0x89: {  	s3 =	sld [smem:$0x3FFE];
	_ =	sdelay $0x1  }
0x8a: {  	s1 =	srdreg.scid  }
0x8b: {  	s0 =	sand.u32 $0x1, s1  }
0x8c: {  	s17 =	sshll.u32 s0, $0xA;
	s2 =	sadd.s32 s3, s2  }
0x8d: {  	s2 =	sadd.s32 s2, s17  }
0x8e: {  	[smem:$0x3FC4] =	sst s2  }
0x8f: {  	_ = 	snop  }
0x90: {  	s2 =	sld [smem:$0x3FD0];
	(tm) =	ssettm $0x1  }
0x91: {  	s18 =	sld [smem:$0x3FFB];
	_ =	sdelay $0x3  }
0x92: {  	_ =	strace s18  }
0x93: {  	s3 =	sld [smem:$0x3FFC];
	_ =	sdelay $0x3  }
0x94: {  	_ =	strace s3  }
0x95: {  	s3 =	sld [smem:$0x3FFD];
	_ =	sdelay $0x3  }
0x96: {  	_ =	strace s3  }
0x97: {  	_ =	strace $0x8FFFFFFF  }
0x98: {  	s19 =	sld [smem:$0x3FDB];
	_ =	sdelay $0x1  }
0x99: {  	s4 =	simm.s32 $_scs_section_size  }
0x9a: {  	s5 =	simm.s32 $_size__tile_overlayer_lowered;
	s6 =	simm.s32 $_tile_overlayer_lowered  }
0x9b: {  	s22 =	simm.s32 $0x1BFF;
	s21 =	sshll.u32 s6, $0x1;
	s3 =	sadd.s32 s4, s19  }
0x9c: {  	s7 =	simm.s32 $0x0;
	s20 =	sshll.u32 s5, $0x1;
	s5 =	sadd.s32 s21, s3  }
0x9d: {  	[timem:s7], [sflag:s22] =	dma.local [hbm:s5], s20  }
0x9e: {  	_ =	swait.ge [sflag:s22], s20  }
0x9f: {  	s4 =	ssub.s32 $0x0, s20;
	[sflag:s22] =	ssyncset.done $0x0  }
0xa0: {  	[sflag:s22] =	ssyncadd.s32 s4;
	_ =	sdelay $0x1  }
0xa1: {  	s23 =	simm.s32 $0x1B8B  }
0xa2: {  	_ =	swait.ge [sflag:s23], $0x1  }
0xa3: {  	[sflag:s23] =	ssyncset.done $0x0  }
0xa4: {  	s25 =	simm.s32 $0x1B8E;
	s24 =	sld [smem:$0x3FFE];
	[sflag:s23] =	ssyncadd.s32 $0xFFFFFFFF  }
0xa5: {  	s26 =	simm.s32 $execute0_lowered;
	[smem:$0x3FD2] =	sst s25  }
0xa6: {  	s5 =	sshll.u32 s26, $0x1;
	_ =	strace $0x80000046;
	[dreg:$0x1] =	wrdreg $0xFFFFFFFF  }
0xa7: {  	s28 =	simm.s32 $_size_execute0_lowered;
	s3 =	sadd.s32 s3, s5;
	[dreg:$0x0] =	wrdreg $0x0  }
0xa8: {  	s5 =	sshll.u32 s28, $0x1;
	[dreg:$0x2] =	wrdreg s3  }
0xa9: {  	[dreg:$0x3] =	wrdreg s5  }
0xaa: {  	[dreg:$0x4] =	wrdreg $0xC0  }
0xab: {  	_ =	task [dreg:s7], $0x5FFFF  }
0xac: {  	[dreg:$0x1] =	wrdreg $0xFFFFFFFF  }
0xad: {  	[dreg:$0x0] =	wrdreg $0x60  }
0xae: {  	[dreg:$0x2] =	wrdreg s24  }
0xaf: {  	[dreg:$0x3] =	wrdreg s2  }
0xb0: {  	[dreg:$0x4] =	wrdreg $0x4000  }
0xb1: {  	[dreg:$0x5] =	wrdreg $0x9  }
0xb2: {  	_ =	task.clear_ibuf [dreg:s7], $0x6FFFF;
	_ =	strace $0x90000046  }
0xb3: {  	s29 =	simm.s32 $0x9;
	_ =	strace $0x80000048  }
0xb4: {  	_ =	swait.ge [sflag:s29], $0x1  }
0xb5: {  	[sflag:s29] =	ssyncadd.s32 $0xFFFFFFFF  }
0xb6: {  	_ =	strace $0x90000048  }
0xb7: {  	_ =	sfence  }
0xb8: {  	s30 =	sld [smem:$0x0];
	_ =	sdelay $0x2  }
0xb9: {  	s31 =	sshll.u32 s1, $0xD;
	s1 =	sshrl.u32 s1, $0x2  }
0xba: {  	s3 =	sand.u32 $0x4000, s31;
	s1 =	sadd.s32 s1, s30  }
0xbb: {  	s0 =	sor.u32 s3, s0;
	s1 =	sshll.u32 s1, $0x11  }
0xbc: {  	s0 =	sor.u32 s1, s0  }
0xbd: {  	s0 =	sadd.s32 $0x8F2B, s0  }
0xbe: {  	[sflag:s0] =	ssyncadd.remote.s32 $0x1  }
0xbf: {  	_ =	sfence.sel $0xFFFF  }
0xc0: {  	[dreg:$0x0] =	wrdreg $0xFFFFFFFF;
	(pc) =	sbr.abs _section_cstart, $3  }
0xc1: {  	[dreg:$0x1] =	wrdreg $0xFFFFFFFF  }
0xc2: {  	_ =	task.clear_ibuf [dreg:s7], $0x2FFFF;
	_ =	strace $0x9FFFFFFF  }
0xc3: {  	(tm) =	ssettm $0x7FFFFFFF  }
tec
execute0_lowered:
.L_overlay_start_1:
0x0: {  	(tag) =	ssettag $0x1  }
0x1: {  	s5 =	rddreg [dreg:$0x0]  }
0x2: {  	s9 =	rddreg [dreg:$0x1]  }
0x3: {  	s1 =	rddreg [dreg:$0x2]  }
0x4: {  	s2 =	srdreg.scid;
	s0 =	rddreg [dreg:$0x3]  }
0x5: {  	s3 =	simm.s32 $0x0;
	s16 =	simm.s32 $0x80;
	s17 =	simm.s32 $0x1  }
0x6: {  	s18 =	simm.s32 $0x2;
	s6 =	sand.u32 $0x1, s2;
	s2 =	stileid.u32  }
0x7: {  	s19 =	simm.s32 $0x0;
	[smem:$0x7FF] =	sst s3;
	s10 =	smul.u32 $0xA00, s2  }
0x8: {  	s12 =	sadd.s32 $0xC00, s5;
	s4 =	sshll.u32 s6, $0x4;
	s13 =	smul.u32 $0x500, s2  }
0x9: {  	_ =	strace $0x80000047;
	s8 =	ssub.s32 $0x2, s6;
	s26 =	smul.u32 $0x14000, s6  }
0xa: {  	s14 =	sshll.u32 s6, $0x7;
	s15 =	smul.u32 $0x1400, s2;
	s4 =	sor.u32 s2, s4  }
0xb: {  	s11 =	sshrl.u32 s8, $0x1;
	s7 =	smul.u32 $0x1400, s4;
	s4 =	sadd.s32 $0x5C00, s5  }
0xc: {  	s5 =	sadd.s32 $0x5E00, s5;
	s11 =	ssub.s32 s8, s11;
	s25 =	sshrl.u32 s10, $0x2  }
0xd: {  	s13 =	sor.u32 s14, s13;
	s10 =	sadd.s32 s15, s26;
	s14 =	simm.s32 $0x3  }
0xe: {  	s15 =	simm.s32 $0x100;
	s6 =	sadd.s32 s25, s1;
	s13 =	sshrl.u32 s13, $0x3  }
0xf: {  	s28 =	sor.u32 $0x180, s10;
	s29 =	sor.u32 $0x100, s10;
	s10 =	smax.u32 s11, $0x1  }
0x10: {  	s7 =	sshrl.u32 s7, $0x3;
	s9 =	sadd.s32 s9, s13;
	s30 =	sshrl.u32 s28, $0x3  }
0x11: {  	s31 =	sshrl.u32 s29, $0x3;
	s13 =	simm.s32 $0x180;
	s7 =	sadd.s32 s12, s7  }
0x12: {  	s11 =	sadd.s32 s30, s12;
	s12 =	sadd.s32 s31, s12;
	s8 =	sadd.s32 $0x10, s7  }
.LBB2_1:
0x13: {  	[tilespmem:s13], [sflag:$0x3] =	stream.linear.gather [hbm4b:s5+s3], $0x280, $0x38;
	[tilespmem:$0x680] =	vst v63  }
0x14: {  	_ =	swait.ge [sflag:s14], $0x280  }
0x15: {  	[sflag:s14] =	ssyncset.done $0x0  }
0x16: {  	[sflag:s14] =	ssyncadd.s32 $0xFFFFFD80  }
0x17: {  	[spmem:s6] =	stream.linear.scatter [tilespmem:s13], [sflag:$0x3], $0x280, $0x38;
	[tilespmem:$0x680] =	vst v63  }
0x18: {  	_ =	swait.ge [sflag:s14], $0x280  }
0x19: {  	[sflag:s14] =	ssyncset.done $0x0  }
0x1a: {  	[sflag:s14] =	ssyncadd.s32 $0xFFFFFD80  }
0x1b: {  	[tilespmem:s15], [sflag:$0x3] =	stream.linear.gather [hbm4b:s4+s3], $0x80, $0x38;
	[tilespmem:$0x680] =	vst v63  }
0x1c: {  	_ =	swait.ge [sflag:s14], $0x80  }
0x1d: {  	[sflag:s14] =	ssyncset.done $0x0  }
0x1e: {  	[sflag:s14] =	ssyncadd.s32 $0xFFFFFF80  }
0x1f: {  	[tilespmem:s3], [sflag:$0x1] =	stream.linear.gather [hbm4b:s7+s3], $0x80, $0x38;
	[tilespmem:$0x680] =	vst v63  }
0x20: {  	_ = 	snop  }
0x21: {  	[tilespmem:s16], [sflag:$0x2] =	stream.linear.gather [hbm4b:s8+s3], $0x80, $0x38;
	[tilespmem:$0x680] =	vst v63  }
0x22: {  	[bflag:$0x0] =	sbarrier.arrive $0xFFFF  }
0x23: {  	_ =	swait.ge [sflag:s17], $0x80  }
0x24: {  	[sflag:s17] =	ssyncset.done $0x0  }
0x25: {  	[sflag:s17] =	ssyncadd.s32 $0xFFFFFF80  }
0x26: {  	[spmem:s1] =	stream.indirect.scatter.add.f32 [tilespmem:s15], [sflag:$0x3], $0x1, s3, s16, $0xb8;
	[tilespmem:$0x680] =	vst v63  }
0x27: {  	_ =	swait.ge [sflag:s14], $0x80  }
0x28: {  	[sflag:s14] =	ssyncset.done $0x0  }
0x29: {  	s20 =	sadd.s32 $0x0, s12;
	[sflag:s14] =	ssyncadd.s32 $0xFFFFFF80  }
0x2a: {  	[tilespmem:s3], [sflag:$0x1] =	stream.linear.gather [hbm4b:s20+s3], $0x80, $0x38;
	[tilespmem:$0x680] =	vst v63  }
0x2b: {  	_ =	swait.ge [sflag:s18], $0x80  }
0x2c: {  	[sflag:s18] =	ssyncset.done $0x0  }
0x2d: {  	[sflag:s18] =	ssyncadd.s32 $0xFFFFFF80  }
0x2e: {  	[spmem:s1] =	stream.indirect.scatter.add.f32 [tilespmem:s15], [sflag:$0x3], $0x1, s16, s16, $0xb8;
	[tilespmem:$0x680] =	vst v63  }
0x2f: {  	_ =	swait.ge [sflag:s14], $0x80  }
0x30: {  	[sflag:s14] =	ssyncset.done $0x0  }
0x31: {  	s21 =	sadd.s32 $0x0, s11;
	s20 =	simm.s32 $0x20;
	[sflag:s14] =	ssyncadd.s32 $0xFFFFFF80  }
.LBB2_2:
0x32: {  	[tilespmem:s16], [sflag:$0x2] =	stream.linear.gather [hbm4b:s21+s3], $0x80, $0x38;
	[tilespmem:$0x680] =	vst v63  }
0x33: {  	s21 =	smov.u32 s20  }
0x34: {  	p0 =	sne.s32 s20, $0x240;
	s20 =	sadd.s32 $0x20, s20;
	_ =	swait.ge [sflag:s17], $0x80  }
0x35: {  	[sflag:s17] =	ssyncset.done $0x0  }
0x36: {  	[sflag:s17] =	ssyncadd.s32 $0xFFFFFF80  }
0x37: {  	[spmem:s1] =	stream.indirect.scatter.add.f32 [tilespmem:s15], [sflag:$0x3], $0x1, s3, s16, $0xb8;
	[tilespmem:$0x680] =	vst v63  }
0x38: {  	_ =	swait.ge [sflag:s14], $0x80  }
0x39: {  	[sflag:s14] =	ssyncset.done $0x0  }
0x3a: {  	s22 =	sadd.s32 s21, s12;
	[sflag:s14] =	ssyncadd.s32 $0xFFFFFF80  }
0x3b: {  	[tilespmem:s3], [sflag:$0x1] =	stream.linear.gather [hbm4b:s22+s3], $0x80, $0x38;
	[tilespmem:$0x680] =	vst v63  }
0x3c: {  	_ =	swait.ge [sflag:s18], $0x80  }
0x3d: {  	[sflag:s18] =	ssyncset.done $0x0  }
.Ltmp0:
0x3e: {  	[sflag:s18] =	ssyncadd.s32 $0xFFFFFF80;
	(pc) =	sbr.rel @p0 .LBB2_2-.Ltmp0, $4  }
0x3f: {  	[spmem:s1] =	stream.indirect.scatter.add.f32 [tilespmem:s15], [sflag:$0x3], $0x1, s16, s16, $0xb8;
	[tilespmem:$0x680] =	vst v63  }
0x40: {  	_ =	swait.ge [sflag:s14], $0x80  }
0x41: {  	[sflag:s14] =	ssyncset.done $0x0  }
0x42: {  	s21 =	sadd.s32 s21, s11;
	[sflag:s14] =	ssyncadd.s32 $0xFFFFFF80  }
0x43: {  	[tilespmem:s16], [sflag:$0x2] =	stream.linear.gather [hbm4b:s21+s3], $0x80, $0x38;
	[tilespmem:$0x680] =	vst v63  }
0x44: {  	_ =	swait.ge [sflag:s17], $0x80  }
0x45: {  	[sflag:s17] =	ssyncset.done $0x0  }
0x46: {  	[sflag:s17] =	ssyncadd.s32 $0xFFFFFF80  }
0x47: {  	[spmem:s1] =	stream.indirect.scatter.add.f32 [tilespmem:s15], [sflag:$0x3], $0x1, s3, s16, $0xb8;
	[tilespmem:$0x680] =	vst v63  }
0x48: {  	_ =	swait.ge [sflag:s14], $0x80  }
0x49: {  	[sflag:s14] =	ssyncset.done $0x0  }
0x4a: {  	[sflag:s14] =	ssyncadd.s32 $0xFFFFFF80  }
0x4b: {  	_ =	swait.ge [sflag:s18], $0x80  }
0x4c: {  	[sflag:s18] =	ssyncset.done $0x0  }
0x4d: {  	[sflag:s18] =	ssyncadd.s32 $0xFFFFFF80  }
0x4e: {  	[spmem:s1] =	stream.indirect.scatter.add.f32 [tilespmem:s15], [sflag:$0x3], $0x1, s16, s16, $0xb8;
	[tilespmem:$0x680] =	vst v63  }
0x4f: {  	_ =	swait.ge [sflag:s14], $0x80  }
0x50: {  	[sflag:s14] =	ssyncset.done $0x0  }
0x51: {  	[sflag:s14] =	ssyncadd.s32 $0xFFFFFF80  }
0x52: {  	[bflag:$0x0] =	sbarrier.arrive $0xFFFF  }
0x53: {  	[tilespmem:s13], [sflag:$0x3] =	stream.linear.gather [spmem:s6], $0x280, $0x38;
	[tilespmem:$0x680] =	vst v63  }
0x54: {  	s19 =	sadd.s32 $0x1, s19;
	_ =	swait.ge [sflag:s14], $0x280  }
0x55: {  	p0 =	sne.s32 s19, s10;
	[sflag:s14] =	ssyncset.done $0x0  }
.Ltmp1:
0x56: {  	[sflag:s14] =	ssyncadd.s32 $0xFFFFFD80;
	(pc) =	sbr.rel @p0 .LBB2_1-.Ltmp1, $4  }
0x57: {  	[hbm4b:s9+s16] =	stream.strided.scatter [tilespmem:s13], [sflag:$0x3], $0x280, s15, s16, $0x38;
	[tilespmem:$0x680] =	vst v63  }
0x58: {  	_ =	swait.ge [sflag:s14], $0x280  }
0x59: {  	[sflag:s14] =	ssyncset.done $0x0  }
0x5a: {  	[sflag:s14] =	ssyncadd.s32 $0xFFFFFD80  }
0x5b: {  	_ =	sfence.sel $0x180000  }
0x5c: {  	[bflag:$0x0] =	sbarrier.arrive $0xFFFF  }
0x5d: {  	p0 =	sne.s32 s2, $0x0;
	_ =	strace $0x90000047  }
0x5e: {  	s0 =	sadd.s32 @!p0 $0x100000, s0;
	[bflag:$0x2] =	sbarrier.arrive $0xFFFF  }
0x5f: {  	[sflag:s0] =	ssyncadd.tile.s32 @!p0 $0x1;
	_ =	shalt  }
.Lfunc_end2:
_tile_overlayer_lowered:
.L_overlay_start_2:
0x60: {  	(tag) =	ssettag $0x2  }
0x61: {  	s0 =	rddreg [dreg:$0x0];
	s2 =	stileid.u32  }
0x62: {  	s1 =	rddreg [dreg:$0x1];
	p0 =	sne.s32 s2, $0x0  }
0x63: {  	s3 =	rddreg [dreg:$0x2];
	[bflag:$0x3] =	sbarrier.arrive $0xFFFF;
	s2 =	simm.s32 @!p0 $0x1C03  }
0x64: {  	[timem:s3], [sflag:s2] =	dma.local @!p0 [hbm:s0], s1  }
0x65: {  	s0 =	simm.s32 @!p0 $0x3  }
0x66: {  	_ =	swait.ge @!p0 [sflag:s0], s1  }
0x67: {  	s1 =	ssub.s32 @!p0 $0x0, s1;
	[sflag:s0] =	ssyncset.done @!p0 $0x0  }
0x68: {  	[sflag:s0] =	ssyncadd.s32 @!p0 s1  }
0x69: {  	[bflag:$0x3] =	sbarrier.arrive $0xFFFF  }
0x6a: {  	_ =	shalt  }

</sc_bundles>
